<compile_context>
chip_gen: v7x
topology: tpu7x:2x2x1
jax: 0.10.2.dev20260603
libtpu: 0.0.44.dev20260713+nightly
codegen_flags: <defaults>
</compile_context>

<pallas_src>
import functools

import jax
import jax.numpy as jnp
from jax import lax
from jax.experimental import pallas as pl
from jax.experimental.pallas import tpu as pltpu
from jax.experimental.pallas import tpu_sc as plsc

_TOPK = 10
_LANES = 16
_NTILES = 32


def _sc_thresholds(aff):
    B, P, N = aff.shape
    chunks_per_batch = N // _LANES
    n_chunks = B * chunks_per_batch
    per_tile = pl.cdiv(n_chunks, _NTILES)

    mesh = plsc.VectorSubcoreMesh(core_axis_name="c", subcore_axis_name="s")

    @functools.partial(
        pl.kernel,
        mesh=mesh,
        out_type=(
            jax.ShapeDtypeStruct((B, N), jnp.float32),
            jax.ShapeDtypeStruct((B, N), jnp.float32),
        ),
        scratch_types=[
            pltpu.VMEM((P, _LANES), jnp.float32),
            pltpu.VMEM((_LANES,), jnp.float32),
            pltpu.VMEM((_LANES,), jnp.float32),
        ],
        compiler_params=pltpu.CompilerParams(use_tc_tiling_on_sc=False),
    )
    def sc_kernel(aff_hbm, th_hbm, mx_hbm, buf, thv, mxv):
        wid = lax.axis_index("s") * 2 + lax.axis_index("c")

        def chunk_body(ci, carry):
            c = wid + ci * _NTILES

            @pl.when(c < n_chunks)
            def _():
                b = c // chunks_per_batch
                co = (c % chunks_per_batch) * _LANES
                pltpu.sync_copy(aff_hbm.at[b, :, pl.ds(co, _LANES)], buf)

                def row_body(i, t):
                    v = buf[i]
                    t = list(t)
                    for j in range(_TOPK):
                        hi = jnp.maximum(t[j], v)
                        v = jnp.minimum(t[j], v)
                        t[j] = hi
                    return tuple(t)

                neg_inf = jnp.full((_LANES,), -jnp.inf, dtype=jnp.float32)
                t = lax.fori_loop(
                    0, P, row_body, (neg_inf,) * _TOPK, unroll=8
                )
                thv[...] = t[_TOPK - 1]
                mxv[...] = t[0]
                pltpu.sync_copy(thv, th_hbm.at[b, pl.ds(co, _LANES)])
                pltpu.sync_copy(mxv, mx_hbm.at[b, pl.ds(co, _LANES)])

            return carry

        lax.fori_loop(0, per_tile, chunk_body, 0)

    return sc_kernel(aff)


def _tc_assemble_body(aff_ref, feat_ref, th_ref, mx_ref, out_ref):
    a = aff_ref[0]
    th = th_ref[0]
    mx = mx_ref[0]
    e = jnp.where(a >= th, jnp.exp(a - mx), 0.0)
    s = jnp.sum(e, axis=0, keepdims=True)
    f = feat_ref[0]
    acc = lax.dot_general(
        f, e, (((1,), (0,)), ((), ())), preferred_element_type=jnp.float32
    )
    out_ref[0] = acc * (1.0 / s)


def _tc_assemble(aff, feat, th, mx):
    B, P, N = aff.shape
    C = feat.shape[1]
    NB = 512
    grid = (B, pl.cdiv(N, NB))
    return pl.pallas_call(
        _tc_assemble_body,
        grid=grid,
        in_specs=[
            pl.BlockSpec((1, P, NB), lambda b, n: (b, 0, n)),
            pl.BlockSpec((1, C, P), lambda b, n: (b, 0, 0)),
            pl.BlockSpec((1, 1, NB), lambda b, n: (b, 0, n)),
            pl.BlockSpec((1, 1, NB), lambda b, n: (b, 0, n)),
        ],
        out_specs=pl.BlockSpec((1, C, NB), lambda b, n: (b, 0, n)),
        out_shape=jax.ShapeDtypeStruct((B, C, N), jnp.float32),
    )(aff, feat, th, mx)


def kernel(cur_prev_aff, feat):
    B, P, N = cur_prev_aff.shape
    a0 = cur_prev_aff[:1]
    a1 = cur_prev_aff[1:]
    th1, mx1 = _sc_thresholds(a1)
    out0 = _tc_full(a0, feat[:1])
    out1 = _tc_assemble(a1, feat[1:], th1.reshape(1, 1, N), mx1.reshape(1, 1, N))
    return jnp.concatenate([out0, out1], axis=0)


def _tc_full_body(aff_ref, feat_ref, out_ref):
    p = aff_ref.shape[1]
    nb = aff_ref.shape[2]
    s = 8

    def _insert(i, t):
        v = aff_ref[0, pl.ds(i * s, s), :]
        t = list(t)
        for j in range(_TOPK):
            hi = jnp.maximum(t[j], v)
            v = jnp.minimum(t[j], v)
            t[j] = hi
        return tuple(t)

    t0 = tuple(
        jnp.full((s, nb), -jnp.inf, dtype=jnp.float32) for _ in range(_TOPK)
    )
    t = lax.fori_loop(0, p // s, _insert, t0, unroll=8)

    cand = jnp.concatenate(list(t), axis=0)
    vals = cand
    need = jnp.full((1, nb), float(_TOPK), dtype=jnp.float32)
    th = jnp.full((1, nb), -jnp.inf, dtype=jnp.float32)
    for _ in range(_TOPK):
        m = jnp.max(vals, axis=0, keepdims=True)
        ge = vals >= m
        c = jnp.sum(ge.astype(jnp.float32), axis=0, keepdims=True)
        th = jnp.where(need > 0.0, m, th)
        need = need - c
        vals = jnp.where(ge, -jnp.inf, vals)

    a = aff_ref[0]
    mx = jnp.max(t[0], axis=0, keepdims=True)
    e = jnp.where(a >= th, jnp.exp(a - mx), 0.0)
    s_ = jnp.sum(e, axis=0, keepdims=True)
    f = feat_ref[0]
    acc = lax.dot_general(
        f, e, (((1,), (0,)), ((), ())), preferred_element_type=jnp.float32
    )
    out_ref[0] = acc * (1.0 / s_)


def _tc_full(aff, feat):
    B, P, N = aff.shape
    C = feat.shape[1]
    NB = 512
    grid = (B, pl.cdiv(N, NB))
    return pl.pallas_call(
        _tc_full_body,
        grid=grid,
        in_specs=[
            pl.BlockSpec((1, P, NB), lambda b, n: (b, 0, n)),
            pl.BlockSpec((1, C, P), lambda b, n: (b, 0, 0)),
        ],
        out_specs=pl.BlockSpec((1, C, NB), lambda b, n: (b, 0, n)),
        out_shape=jax.ShapeDtypeStruct((B, C, N), jnp.float32),
    )(aff, feat)

# --- scband reference (transcript-rebuilt; emitter-appended) ---
"""Pipeline reference for scband-naive-assemble-56564719288570 (READ-ONLY COPY).

The authoritative reference and input builder live on the scoring server;
editing this copy changes nothing except your own understanding.
"""

import jax, jax.numpy as jnp
import numpy as np

K = 10

def setup_inputs(seed: int = 0) -> dict:
    key = jax.random.key(seed)
    k1, k2 = jax.random.split(key)
    cur_prev_aff = jax.random.normal(k1, (2, 3136, 3136), dtype=jnp.float32)
    feat = jax.random.normal(k2, (2, 256, 3136), dtype=jnp.float32)
    return {"cur_prev_aff": cur_prev_aff, "feat": feat}


def reference(cur_prev_aff, feat):
    # cur_prev_aff: [B, N_prev, N_cur] affinity between previous-frame and
    # current-frame positions. feat: [B, C, N_prev] previous-frame features.
    # For each current position, keep only the top-k affinities over the
    # previous-frame axis (naive top-k masking), softmax-normalize the kept
    # affinities (masked_cpa), and assemble features as the weighted sum of
    # previous-frame features.
    k = K
    affT = jnp.swapaxes(cur_prev_aff, 1, 2)  # [B, N_cur, N_prev]
    topv, _ = jax.lax.top_k(affT, k)         # [B, N_cur, k]
    thresh = topv[..., -1]                    # k-th largest per current pixel
    mask = affT >= thresh[..., None]
    masked = jnp.where(mask, affT, -jnp.inf)
    masked_cpa = jax.nn.softmax(masked, axis=-1)  # [B, N_cur, N_prev]
    # out[b, c, n] = sum_p feat[b, c, p] * masked_cpa[b, n, p]
    out = jnp.einsum('bcp,bnp->bcn', feat, masked_cpa)  # [B, C, N_cur]
    return out

if __name__ == "__main__":
    import jax
    _d = setup_inputs()
    print(jax.jit(kernel)(*tuple(_d.values())))

</pallas_src>

<mosaic_0001>
#map = affine_map<(d0, d1) -> (0, 0, 0)>
#map1 = affine_map<(d0, d1) -> (0, 0)>
module attributes {stable_mosaic.version = 14 : i64} {
  func.func @sc_kernel(%arg0: i32, %arg1: i32, %arg2: memref<1x3136x3136xf32, #tpu.memory_space<hbm>>, %arg3: memref<1x3136xf32, #tpu.memory_space<hbm>>, %arg4: memref<1x3136xf32, #tpu.memory_space<hbm>>, %arg5: memref<3136x16xf32, #tpu.memory_space<vmem>>, %arg6: memref<16xf32, #tpu.memory_space<vmem>>, %arg7: memref<16xf32, #tpu.memory_space<vmem>>) attributes {dimension_semantics = [#tpu.dimension_semantics<core_parallel>, #tpu.dimension_semantics<subcore_parallel>], iteration_bounds = array<i64: 2, 16>, scalar_prefetch = 0 : i64, scratch_operands = 3 : i64, tpu.core_type = #tpu.core_type<sc_vector_subcore>, window_params = [{transform_indices = #map}, {transform_indices = #map1}, {transform_indices = #map1}]} {
    %mul3A = arith.constant 2 : i32
    %mul3A_0 = arith.muli %arg1, %mul3A : i32
    %add3A = arith.addi %mul3A_0, %arg0 : i32
    %scan3A = arith.constant 0 : i32
    %scan3A_1 = arith.constant 0 : i32
    %scan3A_2 = arith.constant 7 : i32
    %scan3A_3 = arith.addi %scan3A_1, %scan3A_2 : i32
    %scan3A_4 = arith.constant 1 : i32
    scf.for %scan3A_6 = %scan3A_1 to %scan3A_3 step %scan3A_4  : i32 {
      %mul3A_7 = arith.constant 32 : i32
      %mul3A_8 = arith.muli %scan3A_6, %mul3A_7 : i32
      %add3A_9 = arith.addi %add3A, %mul3A_8 : i32
      %lt3A = arith.constant 196 : i32
      %lt3A_10 = arith.cmpi slt, %add3A_9, %lt3A : i32
      %convert_element_type3A = arith.extui %lt3A_10 : i1 to i32
      %cond3A = arith.constant 0 : i32
      %cond3A_11 = arith.cmpi ne, %convert_element_type3A, %cond3A : i32
      scf.if %cond3A_11 {
        %jit3A = arith.constant 196 : i32
        %div3A = arith.divsi %add3A_9, %jit3A : i32
        %sign3A = arith.constant 0 : i32
        %sign3A_12 = arith.cmpi sgt, %add3A_9, %sign3A : i32
        %sign3A_13 = arith.extui %sign3A_12 : i1 to i32
        %sign3A_14 = arith.constant 0 : i32
        %sign3A_15 = arith.cmpi slt, %add3A_9, %sign3A_14 : i32
        %sign3A_16 = arith.extui %sign3A_15 : i1 to i32
        %sign3A_17 = arith.subi %sign3A_13, %sign3A_16 : i32
        %sign3A_18 = arith.constant 0 : i32
        %sign3A_19 = arith.cmpi sgt, %jit3A, %sign3A_18 : i32
        %sign3A_20 = arith.extui %sign3A_19 : i1 to i32
        %sign3A_21 = arith.constant 0 : i32
        %sign3A_22 = arith.cmpi slt, %jit3A, %sign3A_21 : i32
        %sign3A_23 = arith.extui %sign3A_22 : i1 to i32
        %sign3A_24 = arith.subi %sign3A_20, %sign3A_23 : i32
        %ne3A = arith.cmpi ne, %sign3A_17, %sign3A_24 : i32
        %rem3A = arith.remsi %add3A_9, %jit3A : i32
        %ne3A_25 = arith.constant 0 : i32
        %ne3A_26 = arith.cmpi ne, %rem3A, %ne3A_25 : i32
        %and3A = arith.andi %ne3A, %ne3A_26 : i1
        %sub3A = arith.constant 1 : i32
        %sub3A_27 = arith.subi %div3A, %sub3A : i32
        %select_n3A = arith.select %and3A, %sub3A_27, %div3A : i32
        %jit3A_28 = arith.constant 196 : i32
        %eq3A = arith.constant 0 : i32
        %eq3A_29 = arith.cmpi eq, %jit3A_28, %eq3A : i32
        %jit3A_30 = arith.constant 1 : i32
        %select_n3A_31 = arith.select %eq3A_29, %jit3A_30, %jit3A_28 : i32
        %rem3A_32 = arith.remsi %add3A_9, %select_n3A_31 : i32
        %ne3A_33 = arith.constant 0 : i32
        %ne3A_34 = arith.cmpi ne, %rem3A_32, %ne3A_33 : i32
        %lt3A_35 = arith.constant 0 : i32
        %lt3A_36 = arith.cmpi slt, %rem3A_32, %lt3A_35 : i32
        %lt3A_37 = arith.constant 0 : i32
        %lt3A_38 = arith.cmpi slt, %select_n3A_31, %lt3A_37 : i32
        %ne3A_39 = arith.xori %lt3A_36, %lt3A_38 : i1
        %and3A_40 = arith.andi %ne3A_39, %ne3A_34 : i1
        %add3A_41 = arith.addi %rem3A_32, %select_n3A_31 : i32
        %select_n3A_42 = arith.select %and3A_40, %add3A_41, %rem3A_32 : i32
        %mul3A_43 = arith.constant 16 : i32
        %mul3A_44 = arith.muli %select_n3A_42, %mul3A_43 : i32
        "tpu.region"() ({
          %run_scoped3A = tpu.sem_alloc : memref<!tpu.dma_semaphore, #tpu.memory_space<semaphore_mem>>
          %dma_start3A = arith.constant 0 : i32
          %dma_start3A_59 = tpu.memref_slice %arg2[%select_n3A, %dma_start3A, %mul3A_44] : memref<1x3136x3136xf32, #tpu.memory_space<hbm>> -> memref<1x3136x16xf32, #tpu.memory_space<hbm>>
          %dma_start3A_60 = tpu.memref_squeeze %dma_start3A_59 : memref<1x3136x16xf32, #tpu.memory_space<hbm>> -> memref<3136x16xf32, #tpu.memory_space<hbm>>
          %dma_start3A_61 = arith.constant 0 : i32
          %dma_start3A_62 = tpu.memref_slice %arg2[%select_n3A, %dma_start3A_61, %mul3A_44] : memref<1x3136x3136xf32, #tpu.memory_space<hbm>> -> memref<1x3136x16xf32, #tpu.memory_space<hbm>>
          %dma_start3A_63 = tpu.memref_squeeze %dma_start3A_62 : memref<1x3136x16xf32, #tpu.memory_space<hbm>> -> memref<3136x16xf32, #tpu.memory_space<hbm>>
          tpu.enqueue_dma source(%dma_start3A_63 : memref<3136x16xf32, #tpu.memory_space<hbm>>) target(%arg5 : memref<3136x16xf32, #tpu.memory_space<vmem>>) target_semaphore(%run_scoped3A : memref<!tpu.dma_semaphore, #tpu.memory_space<semaphore_mem>>)
          %dma_wait3A = arith.constant 0 : i32
          %dma_wait3A_64 = tpu.memref_slice %arg2[%select_n3A, %dma_wait3A, %mul3A_44] : memref<1x3136x3136xf32, #tpu.memory_space<hbm>> -> memref<1x3136x16xf32, #tpu.memory_space<hbm>>
          %dma_wait3A_65 = tpu.memref_squeeze %dma_wait3A_64 : memref<1x3136x16xf32, #tpu.memory_space<hbm>> -> memref<3136x16xf32, #tpu.memory_space<hbm>>
          %dma_wait3A_66 = arith.constant 0 : i32
          %dma_wait3A_67 = tpu.memref_slice %arg2[%select_n3A, %dma_wait3A_66, %mul3A_44] : memref<1x3136x3136xf32, #tpu.memory_space<hbm>> -> memref<1x3136x16xf32, #tpu.memory_space<hbm>>
          %dma_wait3A_68 = tpu.memref_squeeze %dma_wait3A_67 : memref<1x3136x16xf32, #tpu.memory_space<hbm>> -> memref<3136x16xf32, #tpu.memory_space<hbm>>
          tpu.wait_dma2 semaphore(%run_scoped3A : memref<!tpu.dma_semaphore, #tpu.memory_space<semaphore_mem>>) src(%dma_wait3A_68 : memref<3136x16xf32, #tpu.memory_space<hbm>>) dst(%arg5 : memref<3136x16xf32, #tpu.memory_space<vmem>>)
          tpu.yield
        }) : () -> ()
        %broadcast_in_dim3A = arith.constant 0xFF800000 : f32
        %broadcast_in_dim3A_45 = vector.broadcast %broadcast_in_dim3A : f32 to vector<16xf32>
        %scan3A_46 = arith.constant 0 : i32
        %scan3A_47 = arith.constant 3136 : i32
        %scan3A_48 = arith.addi %scan3A_46, %scan3A_47 : i32
        %scan3A_49 = arith.constant 8 : i32
        %scan3A_50:10 = scf.for %scan3A_59 = %scan3A_46 to %scan3A_48 step %scan3A_49 iter_args(%scan3A_60 = %broadcast_in_dim3A_45, %scan3A_61 = %broadcast_in_dim3A_45, %scan3A_62 = %broadcast_in_dim3A_45, %scan3A_63 = %broadcast_in_dim3A_45, %scan3A_64 = %broadcast_in_dim3A_45, %scan3A_65 = %broadcast_in_dim3A_45, %scan3A_66 = %broadcast_in_dim3A_45, %scan3A_67 = %broadcast_in_dim3A_45, %scan3A_68 = %broadcast_in_dim3A_45, %scan3A_69 = %broadcast_in_dim3A_45) -> (vector<16xf32>, vector<16xf32>, vector<16xf32>, vector<16xf32>, vector<16xf32>, vector<16xf32>, vector<16xf32>, vector<16xf32>, vector<16xf32>, vector<16xf32>)  : i32 {
          %get3A = arith.index_cast %scan3A_59 : i32 to index
          %get3A_70 = arith.constant 0 : index
          %get3A_71 = tpu.vector_load %arg5[%get3A, %get3A_70] {strides = array<i32>} : memref<3136x16xf32, #tpu.memory_space<vmem>>, vector<1x16xf32>,
          %get3A_72 = vector.shape_cast %get3A_71 : vector<1x16xf32> to vector<16xf32>
          %max3A = arith.maximumf %scan3A_60, %get3A_72 : vector<16xf32>
          %min3A = arith.minimumf %scan3A_60, %get3A_72 : vector<16xf32>
          %max3A_73 = arith.maximumf %scan3A_61, %min3A : vector<16xf32>
          %min3A_74 = arith.minimumf %scan3A_61, %min3A : vector<16xf32>
          %max3A_75 = arith.maximumf %scan3A_62, %min3A_74 : vector<16xf32>
          %min3A_76 = arith.minimumf %scan3A_62, %min3A_74 : vector<16xf32>
          %max3A_77 = arith.maximumf %scan3A_63, %min3A_76 : vector<16xf32>
          %min3A_78 = arith.minimumf %scan3A_63, %min3A_76 : vector<16xf32>
          %max3A_79 = arith.maximumf %scan3A_64, %min3A_78 : vector<16xf32>
          %min3A_80 = arith.minimumf %scan3A_64, %min3A_78 : vector<16xf32>
          %max3A_81 = arith.maximumf %scan3A_65, %min3A_80 : vector<16xf32>
          %min3A_82 = arith.minimumf %scan3A_65, %min3A_80 : vector<16xf32>
          %max3A_83 = arith.maximumf %scan3A_66, %min3A_82 : vector<16xf32>
          %min3A_84 = arith.minimumf %scan3A_66, %min3A_82 : vector<16xf32>
          %max3A_85 = arith.maximumf %scan3A_67, %min3A_84 : vector<16xf32>
          %min3A_86 = arith.minimumf %scan3A_67, %min3A_84 : vector<16xf32>
          %max3A_87 = arith.maximumf %scan3A_68, %min3A_86 : vector<16xf32>
          %min3A_88 = arith.minimumf %scan3A_68, %min3A_86 : vector<16xf32>
          %max3A_89 = arith.maximumf %scan3A_69, %min3A_88 : vector<16xf32>
          %min3A_90 = arith.minimumf %scan3A_69, %min3A_88 : vector<16xf32>
          %scan3A_91 = arith.constant 1 : i32
          %scan3A_92 = arith.addi %scan3A_59, %scan3A_91 : i32
          %get3A_93 = arith.index_cast %scan3A_92 : i32 to index
          %get3A_94 = arith.constant 0 : index
          %get3A_95 = tpu.vector_load %arg5[%get3A_93, %get3A_94] {strides = array<i32>} : memref<3136x16xf32, #tpu.memory_space<vmem>>, vector<1x16xf32>,
          %get3A_96 = vector.shape_cast %get3A_95 : vector<1x16xf32> to vector<16xf32>
          %max3A_97 = arith.maximumf %max3A, %get3A_96 : vector<16xf32>
          %min3A_98 = arith.minimumf %max3A, %get3A_96 : vector<16xf32>
          %max3A_99 = arith.maximumf %max3A_73, %min3A_98 : vector<16xf32>
          %min3A_100 = arith.minimumf %max3A_73, %min3A_98 : vector<16xf32>
          %max3A_101 = arith.maximumf %max3A_75, %min3A_100 : vector<16xf32>
          %min3A_102 = arith.minimumf %max3A_75, %min3A_100 : vector<16xf32>
          %max3A_103 = arith.maximumf %max3A_77, %min3A_102 : vector<16xf32>
          %min3A_104 = arith.minimumf %max3A_77, %min3A_102 : vector<16xf32>
          %max3A_105 = arith.maximumf %max3A_79, %min3A_104 : vector<16xf32>
          %min3A_106 = arith.minimumf %max3A_79, %min3A_104 : vector<16xf32>
          %max3A_107 = arith.maximumf %max3A_81, %min3A_106 : vector<16xf32>
          %min3A_108 = arith.minimumf %max3A_81, %min3A_106 : vector<16xf32>
          %max3A_109 = arith.maximumf %max3A_83, %min3A_108 : vector<16xf32>
          %min3A_110 = arith.minimumf %max3A_83, %min3A_108 : vector<16xf32>
          %max3A_111 = arith.maximumf %max3A_85, %min3A_110 : vector<16xf32>
          %min3A_112 = arith.minimumf %max3A_85, %min3A_110 : vector<16xf32>
          %max3A_113 = arith.maximumf %max3A_87, %min3A_112 : vector<16xf32>
          %min3A_114 = arith.minimumf %max3A_87, %min3A_112 : vector<16xf32>
          %max3A_115 = arith.maximumf %max3A_89, %min3A_114 : vector<16xf32>
          %min3A_116 = arith.minimumf %max3A_89, %min3A_114 : vector<16xf32>
          %scan3A_117 = arith.constant 2 : i32
          %scan3A_118 = arith.addi %scan3A_59, %scan3A_117 : i32
          %get3A_119 = arith.index_cast %scan3A_118 : i32 to index
          %get3A_120 = arith.constant 0 : index
          %get3A_121 = tpu.vector_load %arg5[%get3A_119, %get3A_120] {strides = array<i32>} : memref<3136x16xf32, #tpu.memory_space<vmem>>, vector<1x16xf32>,
          %get3A_122 = vector.shape_cast %get3A_121 : vector<1x16xf32> to vector<16xf32>
          %max3A_123 = arith.maximumf %max3A_97, %get3A_122 : vector<16xf32>
          %min3A_124 = arith.minimumf %max3A_97, %get3A_122 : vector<16xf32>
          %max3A_125 = arith.maximumf %max3A_99, %min3A_124 : vector<16xf32>
          %min3A_126 = arith.minimumf %max3A_99, %min3A_124 : vector<16xf32>
          %max3A_127 = arith.maximumf %max3A_101, %min3A_126 : vector<16xf32>
          %min3A_128 = arith.minimumf %max3A_101, %min3A_126 : vector<16xf32>
          %max3A_129 = arith.maximumf %max3A_103, %min3A_128 : vector<16xf32>
          %min3A_130 = arith.minimumf %max3A_103, %min3A_128 : vector<16xf32>
          %max3A_131 = arith.maximumf %max3A_105, %min3A_130 : vector<16xf32>
          %min3A_132 = arith.minimumf %max3A_105, %min3A_130 : vector<16xf32>
          %max3A_133 = arith.maximumf %max3A_107, %min3A_132 : vector<16xf32>
          %min3A_134 = arith.minimumf %max3A_107, %min3A_132 : vector<16xf32>
          %max3A_135 = arith.maximumf %max3A_109, %min3A_134 : vector<16xf32>
          %min3A_136 = arith.minimumf %max3A_109, %min3A_134 : vector<16xf32>
          %max3A_137 = arith.maximumf %max3A_111, %min3A_136 : vector<16xf32>
          %min3A_138 = arith.minimumf %max3A_111, %min3A_136 : vector<16xf32>
          %max3A_139 = arith.maximumf %max3A_113, %min3A_138 : vector<16xf32>
          %min3A_140 = arith.minimumf %max3A_113, %min3A_138 : vector<16xf32>
          %max3A_141 = arith.maximumf %max3A_115, %min3A_140 : vector<16xf32>
          %min3A_142 = arith.minimumf %max3A_115, %min3A_140 : vector<16xf32>
          %scan3A_143 = arith.constant 3 : i32
          %scan3A_144 = arith.addi %scan3A_59, %scan3A_143 : i32
          %get3A_145 = arith.index_cast %scan3A_144 : i32 to index
          %get3A_146 = arith.constant 0 : index
          %get3A_147 = tpu.vector_load %arg5[%get3A_145, %get3A_146] {strides = array<i32>} : memref<3136x16xf32, #tpu.memory_space<vmem>>, vector<1x16xf32>,
          %get3A_148 = vector.shape_cast %get3A_147 : vector<1x16xf32> to vector<16xf32>
          %max3A_149 = arith.maximumf %max3A_123, %get3A_148 : vector<16xf32>
          %min3A_150 = arith.minimumf %max3A_123, %get3A_148 : vector<16xf32>
          %max3A_151 = arith.maximumf %max3A_125, %min3A_150 : vector<16xf32>
          %min3A_152 = arith.minimumf %max3A_125, %min3A_150 : vector<16xf32>
          %max3A_153 = arith.maximumf %max3A_127, %min3A_152 : vector<16xf32>
          %min3A_154 = arith.minimumf %max3A_127, %min3A_152 : vector<16xf32>
          %max3A_155 = arith.maximumf %max3A_129, %min3A_154 : vector<16xf32>
          %min3A_156 = arith.minimumf %max3A_129, %min3A_154 : vector<16xf32>
          %max3A_157 = arith.maximumf %max3A_131, %min3A_156 : vector<16xf32>
          %min3A_158 = arith.minimumf %max3A_131, %min3A_156 : vector<16xf32>
          %max3A_159 = arith.maximumf %max3A_133, %min3A_158 : vector<16xf32>
          %min3A_160 = arith.minimumf %max3A_133, %min3A_158 : vector<16xf32>
          %max3A_161 = arith.maximumf %max3A_135, %min3A_160 : vector<16xf32>
          %min3A_162 = arith.minimumf %max3A_135, %min3A_160 : vector<16xf32>
          %max3A_163 = arith.maximumf %max3A_137, %min3A_162 : vector<16xf32>
          %min3A_164 = arith.minimumf %max3A_137, %min3A_162 : vector<16xf32>
          %max3A_165 = arith.maximumf %max3A_139, %min3A_164 : vector<16xf32>
          %min3A_166 = arith.minimumf %max3A_139, %min3A_164 : vector<16xf32>
          %max3A_167 = arith.maximumf %max3A_141, %min3A_166 : vector<16xf32>
          %min3A_168 = arith.minimumf %max3A_141, %min3A_166 : vector<16xf32>
          %scan3A_169 = arith.constant 4 : i32
          %scan3A_170 = arith.addi %scan3A_59, %scan3A_169 : i32
          %get3A_171 = arith.index_cast %scan3A_170 : i32 to index
          %get3A_172 = arith.constant 0 : index
          %get3A_173 = tpu.vector_load %arg5[%get3A_171, %get3A_172] {strides = array<i32>} : memref<3136x16xf32, #tpu.memory_space<vmem>>, vector<1x16xf32>,
          %get3A_174 = vector.shape_cast %get3A_173 : vector<1x16xf32> to vector<16xf32>
          %max3A_175 = arith.maximumf %max3A_149, %get3A_174 : vector<16xf32>
          %min3A_176 = arith.minimumf %max3A_149, %get3A_174 : vector<16xf32>
          %max3A_177 = arith.maximumf %max3A_151, %min3A_176 : vector<16xf32>
          %min3A_178 = arith.minimumf %max3A_151, %min3A_176 : vector<16xf32>
          %max3A_179 = arith.maximumf %max3A_153, %min3A_178 : vector<16xf32>
          %min3A_180 = arith.minimumf %max3A_153, %min3A_178 : vector<16xf32>
          %max3A_181 = arith.maximumf %max3A_155, %min3A_180 : vector<16xf32>
          %min3A_182 = arith.minimumf %max3A_155, %min3A_180 : vector<16xf32>
          %max3A_183 = arith.maximumf %max3A_157, %min3A_182 : vector<16xf32>
          %min3A_184 = arith.minimumf %max3A_157, %min3A_182 : vector<16xf32>
          %max3A_185 = arith.maximumf %max3A_159, %min3A_184 : vector<16xf32>
          %min3A_186 = arith.minimumf %max3A_159, %min3A_184 : vector<16xf32>
          %max3A_187 = arith.maximumf %max3A_161, %min3A_186 : vector<16xf32>
          %min3A_188 = arith.minimumf %max3A_161, %min3A_186 : vector<16xf32>
          %max3A_189 = arith.maximumf %max3A_163, %min3A_188 : vector<16xf32>
          %min3A_190 = arith.minimumf %max3A_163, %min3A_188 : vector<16xf32>
          %max3A_191 = arith.maximumf %max3A_165, %min3A_190 : vector<16xf32>
          %min3A_192 = arith.minimumf %max3A_165, %min3A_190 : vector<16xf32>
          %max3A_193 = arith.maximumf %max3A_167, %min3A_192 : vector<16xf32>
          %min3A_194 = arith.minimumf %max3A_167, %min3A_192 : vector<16xf32>
          %scan3A_195 = arith.constant 5 : i32
          %scan3A_196 = arith.addi %scan3A_59, %scan3A_195 : i32
          %get3A_197 = arith.index_cast %scan3A_196 : i32 to index
          %get3A_198 = arith.constant 0 : index
          %get3A_199 = tpu.vector_load %arg5[%get3A_197, %get3A_198] {strides = array<i32>} : memref<3136x16xf32, #tpu.memory_space<vmem>>, vector<1x16xf32>,
          %get3A_200 = vector.shape_cast %get3A_199 : vector<1x16xf32> to vector<16xf32>
          %max3A_201 = arith.maximumf %max3A_175, %get3A_200 : vector<16xf32>
          %min3A_202 = arith.minimumf %max3A_175, %get3A_200 : vector<16xf32>
          %max3A_203 = arith.maximumf %max3A_177, %min3A_202 : vector<16xf32>
          %min3A_204 = arith.minimumf %max3A_177, %min3A_202 : vector<16xf32>
          %max3A_205 = arith.maximumf %max3A_179, %min3A_204 : vector<16xf32>
          %min3A_206 = arith.minimumf %max3A_179, %min3A_204 : vector<16xf32>
          %max3A_207 = arith.maximumf %max3A_181, %min3A_206 : vector<16xf32>
          %min3A_208 = arith.minimumf %max3A_181, %min3A_206 : vector<16xf32>
          %max3A_209 = arith.maximumf %max3A_183, %min3A_208 : vector<16xf32>
          %min3A_210 = arith.minimumf %max3A_183, %min3A_208 : vector<16xf32>
          %max3A_211 = arith.maximumf %max3A_185, %min3A_210 : vector<16xf32>
          %min3A_212 = arith.minimumf %max3A_185, %min3A_210 : vector<16xf32>
          %max3A_213 = arith.maximumf %max3A_187, %min3A_212 : vector<16xf32>
          %min3A_214 = arith.minimumf %max3A_187, %min3A_212 : vector<16xf32>
          %max3A_215 = arith.maximumf %max3A_189, %min3A_214 : vector<16xf32>
          %min3A_216 = arith.minimumf %max3A_189, %min3A_214 : vector<16xf32>
          %max3A_217 = arith.maximumf %max3A_191, %min3A_216 : vector<16xf32>
          %min3A_218 = arith.minimumf %max3A_191, %min3A_216 : vector<16xf32>
          %max3A_219 = arith.maximumf %max3A_193, %min3A_218 : vector<16xf32>
          %min3A_220 = arith.minimumf %max3A_193, %min3A_218 : vector<16xf32>
          %scan3A_221 = arith.constant 6 : i32
          %scan3A_222 = arith.addi %scan3A_59, %scan3A_221 : i32
          %get3A_223 = arith.index_cast %scan3A_222 : i32 to index
          %get3A_224 = arith.constant 0 : index
          %get3A_225 = tpu.vector_load %arg5[%get3A_223, %get3A_224] {strides = array<i32>} : memref<3136x16xf32, #tpu.memory_space<vmem>>, vector<1x16xf32>,
          %get3A_226 = vector.shape_cast %get3A_225 : vector<1x16xf32> to vector<16xf32>
          %max3A_227 = arith.maximumf %max3A_201, %get3A_226 : vector<16xf32>
          %min3A_228 = arith.minimumf %max3A_201, %get3A_226 : vector<16xf32>
          %max3A_229 = arith.maximumf %max3A_203, %min3A_228 : vector<16xf32>
          %min3A_230 = arith.minimumf %max3A_203, %min3A_228 : vector<16xf32>
          %max3A_231 = arith.maximumf %max3A_205, %min3A_230 : vector<16xf32>
          %min3A_232 = arith.minimumf %max3A_205, %min3A_230 : vector<16xf32>
          %max3A_233 = arith.maximumf %max3A_207, %min3A_232 : vector<16xf32>
          %min3A_234 = arith.minimumf %max3A_207, %min3A_232 : vector<16xf32>
          %max3A_235 = arith.maximumf %max3A_209, %min3A_234 : vector<16xf32>
          %min3A_236 = arith.minimumf %max3A_209, %min3A_234 : vector<16xf32>
          %max3A_237 = arith.maximumf %max3A_211, %min3A_236 : vector<16xf32>
          %min3A_238 = arith.minimumf %max3A_211, %min3A_236 : vector<16xf32>
          %max3A_239 = arith.maximumf %max3A_213, %min3A_238 : vector<16xf32>
          %min3A_240 = arith.minimumf %max3A_213, %min3A_238 : vector<16xf32>
          %max3A_241 = arith.maximumf %max3A_215, %min3A_240 : vector<16xf32>
          %min3A_242 = arith.minimumf %max3A_215, %min3A_240 : vector<16xf32>
          %max3A_243 = arith.maximumf %max3A_217, %min3A_242 : vector<16xf32>
          %min3A_244 = arith.minimumf %max3A_217, %min3A_242 : vector<16xf32>
          %max3A_245 = arith.maximumf %max3A_219, %min3A_244 : vector<16xf32>
          %min3A_246 = arith.minimumf %max3A_219, %min3A_244 : vector<16xf32>
          %scan3A_247 = arith.constant 7 : i32
          %scan3A_248 = arith.addi %scan3A_59, %scan3A_247 : i32
          %get3A_249 = arith.index_cast %scan3A_248 : i32 to index
          %get3A_250 = arith.constant 0 : index
          %get3A_251 = tpu.vector_load %arg5[%get3A_249, %get3A_250] {strides = array<i32>} : memref<3136x16xf32, #tpu.memory_space<vmem>>, vector<1x16xf32>,
          %get3A_252 = vector.shape_cast %get3A_251 : vector<1x16xf32> to vector<16xf32>
          %max3A_253 = arith.maximumf %max3A_227, %get3A_252 : vector<16xf32>
          %min3A_254 = arith.minimumf %max3A_227, %get3A_252 : vector<16xf32>
          %max3A_255 = arith.maximumf %max3A_229, %min3A_254 : vector<16xf32>
          %min3A_256 = arith.minimumf %max3A_229, %min3A_254 : vector<16xf32>
          %max3A_257 = arith.maximumf %max3A_231, %min3A_256 : vector<16xf32>
          %min3A_258 = arith.minimumf %max3A_231, %min3A_256 : vector<16xf32>
          %max3A_259 = arith.maximumf %max3A_233, %min3A_258 : vector<16xf32>
          %min3A_260 = arith.minimumf %max3A_233, %min3A_258 : vector<16xf32>
          %max3A_261 = arith.maximumf %max3A_235, %min3A_260 : vector<16xf32>
          %min3A_262 = arith.minimumf %max3A_235, %min3A_260 : vector<16xf32>
          %max3A_263 = arith.maximumf %max3A_237, %min3A_262 : vector<16xf32>
          %min3A_264 = arith.minimumf %max3A_237, %min3A_262 : vector<16xf32>
          %max3A_265 = arith.maximumf %max3A_239, %min3A_264 : vector<16xf32>
          %min3A_266 = arith.minimumf %max3A_239, %min3A_264 : vector<16xf32>
          %max3A_267 = arith.maximumf %max3A_241, %min3A_266 : vector<16xf32>
          %min3A_268 = arith.minimumf %max3A_241, %min3A_266 : vector<16xf32>
          %max3A_269 = arith.maximumf %max3A_243, %min3A_268 : vector<16xf32>
          %min3A_270 = arith.minimumf %max3A_243, %min3A_268 : vector<16xf32>
          %max3A_271 = arith.maximumf %max3A_245, %min3A_270 : vector<16xf32>
          %min3A_272 = arith.minimumf %max3A_245, %min3A_270 : vector<16xf32>
          scf.yield %max3A_253, %max3A_255, %max3A_257, %max3A_259, %max3A_261, %max3A_263, %max3A_265, %max3A_267, %max3A_269, %max3A_271 : vector<16xf32>, vector<16xf32>, vector<16xf32>, vector<16xf32>, vector<16xf32>, vector<16xf32>, vector<16xf32>, vector<16xf32>, vector<16xf32>, vector<16xf32>
        }
        %scan3A_51 = arith.constant 3136 : i32
        %swap3A = arith.constant 0 : index
        %swap3A_52 = tpu.vector_load %arg6[%swap3A] {strides = array<i32>} : memref<16xf32, #tpu.memory_space<vmem>>, vector<16xf32>,
        %swap3A_53 = vector.shape_cast %swap3A_52 : vector<16xf32> to vector<16xf32>
        %swap3A_54 = vector.shape_cast %scan3A_50#9 : vector<16xf32> to vector<16xf32>
        tpu.vector_store %arg6[%swap3A], %swap3A_54 {strides = array<i32>} : memref<16xf32, #tpu.memory_space<vmem>>, vector<16xf32>,
        %swap3A_55 = arith.constant 0 : index
        %swap3A_56 = tpu.vector_load %arg7[%swap3A_55] {strides = array<i32>} : memref<16xf32, #tpu.memory_space<vmem>>, vector<16xf32>,
        %swap3A_57 = vector.shape_cast %swap3A_56 : vector<16xf32> to vector<16xf32>
        %swap3A_58 = vector.shape_cast %scan3A_50#0 : vector<16xf32> to vector<16xf32>
        tpu.vector_store %arg7[%swap3A_55], %swap3A_58 {strides = array<i32>} : memref<16xf32, #tpu.memory_space<vmem>>, vector<16xf32>,
        "tpu.region"() ({
          %run_scoped3A = tpu.sem_alloc : memref<!tpu.dma_semaphore, #tpu.memory_space<semaphore_mem>>
          %dma_start3A = tpu.memref_slice %arg3[%select_n3A, %mul3A_44] : memref<1x3136xf32, #tpu.memory_space<hbm>> -> memref<1x16xf32, #tpu.memory_space<hbm>>
          %dma_start3A_59 = tpu.memref_squeeze %dma_start3A : memref<1x16xf32, #tpu.memory_space<hbm>> -> memref<16xf32, #tpu.memory_space<hbm>>
          %dma_start3A_60 = tpu.memref_slice %arg3[%select_n3A, %mul3A_44] : memref<1x3136xf32, #tpu.memory_space<hbm>> -> memref<1x16xf32, #tpu.memory_space<hbm>>
          %dma_start3A_61 = tpu.memref_squeeze %dma_start3A_60 : memref<1x16xf32, #tpu.memory_space<hbm>> -> memref<16xf32, #tpu.memory_space<hbm>>
          tpu.enqueue_dma source(%arg6 : memref<16xf32, #tpu.memory_space<vmem>>) target(%dma_start3A_61 : memref<16xf32, #tpu.memory_space<hbm>>) target_semaphore(%run_scoped3A : memref<!tpu.dma_semaphore, #tpu.memory_space<semaphore_mem>>)
          %dma_wait3A = tpu.memref_slice %arg3[%select_n3A, %mul3A_44] : memref<1x3136xf32, #tpu.memory_space<hbm>> -> memref<1x16xf32, #tpu.memory_space<hbm>>
          %dma_wait3A_62 = tpu.memref_squeeze %dma_wait3A : memref<1x16xf32, #tpu.memory_space<hbm>> -> memref<16xf32, #tpu.memory_space<hbm>>
          %dma_wait3A_63 = tpu.memref_slice %arg3[%select_n3A, %mul3A_44] : memref<1x3136xf32, #tpu.memory_space<hbm>> -> memref<1x16xf32, #tpu.memory_space<hbm>>
          %dma_wait3A_64 = tpu.memref_squeeze %dma_wait3A_63 : memref<1x16xf32, #tpu.memory_space<hbm>> -> memref<16xf32, #tpu.memory_space<hbm>>
          tpu.wait_dma2 semaphore(%run_scoped3A : memref<!tpu.dma_semaphore, #tpu.memory_space<semaphore_mem>>) src(%arg6 : memref<16xf32, #tpu.memory_space<vmem>>) dst(%dma_wait3A_64 : memref<16xf32, #tpu.memory_space<hbm>>)
          tpu.yield
        }) : () -> ()
        "tpu.region"() ({
          %run_scoped3A = tpu.sem_alloc : memref<!tpu.dma_semaphore, #tpu.memory_space<semaphore_mem>>
          %dma_start3A = tpu.memref_slice %arg4[%select_n3A, %mul3A_44] : memref<1x3136xf32, #tpu.memory_space<hbm>> -> memref<1x16xf32, #tpu.memory_space<hbm>>
          %dma_start3A_59 = tpu.memref_squeeze %dma_start3A : memref<1x16xf32, #tpu.memory_space<hbm>> -> memref<16xf32, #tpu.memory_space<hbm>>
          %dma_start3A_60 = tpu.memref_slice %arg4[%select_n3A, %mul3A_44] : memref<1x3136xf32, #tpu.memory_space<hbm>> -> memref<1x16xf32, #tpu.memory_space<hbm>>
          %dma_start3A_61 = tpu.memref_squeeze %dma_start3A_60 : memref<1x16xf32, #tpu.memory_space<hbm>> -> memref<16xf32, #tpu.memory_space<hbm>>
          tpu.enqueue_dma source(%arg7 : memref<16xf32, #tpu.memory_space<vmem>>) target(%dma_start3A_61 : memref<16xf32, #tpu.memory_space<hbm>>) target_semaphore(%run_scoped3A : memref<!tpu.dma_semaphore, #tpu.memory_space<semaphore_mem>>)
          %dma_wait3A = tpu.memref_slice %arg4[%select_n3A, %mul3A_44] : memref<1x3136xf32, #tpu.memory_space<hbm>> -> memref<1x16xf32, #tpu.memory_space<hbm>>
          %dma_wait3A_62 = tpu.memref_squeeze %dma_wait3A : memref<1x16xf32, #tpu.memory_space<hbm>> -> memref<16xf32, #tpu.memory_space<hbm>>
          %dma_wait3A_63 = tpu.memref_slice %arg4[%select_n3A, %mul3A_44] : memref<1x3136xf32, #tpu.memory_space<hbm>> -> memref<1x16xf32, #tpu.memory_space<hbm>>
          %dma_wait3A_64 = tpu.memref_squeeze %dma_wait3A_63 : memref<1x16xf32, #tpu.memory_space<hbm>> -> memref<16xf32, #tpu.memory_space<hbm>>
          tpu.wait_dma2 semaphore(%run_scoped3A : memref<!tpu.dma_semaphore, #tpu.memory_space<semaphore_mem>>) src(%arg7 : memref<16xf32, #tpu.memory_space<vmem>>) dst(%dma_wait3A_64 : memref<16xf32, #tpu.memory_space<hbm>>)
          tpu.yield
        }) : () -> ()
      } else {
      }
    }
    %scan3A_5 = arith.constant 7 : i32
    return
  }
}

module attributes {stable_mosaic.version = 14 : i64} {
  func.func @_tc_full_body(%arg0: i32, %arg1: i32, %arg2: memref<1x3136x512xf32, #tpu.memory_space<vmem>>, %arg3: memref<1x256x3136xf32, #tpu.memory_space<vmem>>, %arg4: memref<1x256x512xf32, #tpu.memory_space<vmem>>) attributes {dimension_semantics = [#tpu.dimension_semantics<arbitrary>, #tpu.dimension_semantics<arbitrary>], iteration_bounds = array<i64: 1, 7>, scalar_prefetch = 0 : i64, scratch_operands = 0 : i64, tpu.core_type = #tpu.core_type<tc>, window_params = [{transform_indices = @transform_0, window_bounds = array<i64: 1, 3136, 512>}, {transform_indices = @transform_1, window_bounds = array<i64: 1, 256, 3136>}, {transform_indices = @transform_2, window_bounds = array<i64: 1, 256, 512>}]} {
    %broadcast_in_dim3A = arith.constant 0xFF800000 : f32
    %broadcast_in_dim3A_0 = vector.broadcast %broadcast_in_dim3A : f32 to vector<8x512xf32>
    %broadcast_in_dim3A_1 = arith.constant 0xFF800000 : f32
    %broadcast_in_dim3A_2 = vector.broadcast %broadcast_in_dim3A_1 : f32 to vector<8x512xf32>
    %broadcast_in_dim3A_3 = arith.constant 0xFF800000 : f32
    %broadcast_in_dim3A_4 = vector.broadcast %broadcast_in_dim3A_3 : f32 to vector<8x512xf32>
    %broadcast_in_dim3A_5 = arith.constant 0xFF800000 : f32
    %broadcast_in_dim3A_6 = vector.broadcast %broadcast_in_dim3A_5 : f32 to vector<8x512xf32>
    %broadcast_in_dim3A_7 = arith.constant 0xFF800000 : f32
    %broadcast_in_dim3A_8 = vector.broadcast %broadcast_in_dim3A_7 : f32 to vector<8x512xf32>
    %broadcast_in_dim3A_9 = arith.constant 0xFF800000 : f32
    %broadcast_in_dim3A_10 = vector.broadcast %broadcast_in_dim3A_9 : f32 to vector<8x512xf32>
    %broadcast_in_dim3A_11 = arith.constant 0xFF800000 : f32
    %broadcast_in_dim3A_12 = vector.broadcast %broadcast_in_dim3A_11 : f32 to vector<8x512xf32>
    %broadcast_in_dim3A_13 = arith.constant 0xFF800000 : f32
    %broadcast_in_dim3A_14 = vector.broadcast %broadcast_in_dim3A_13 : f32 to vector<8x512xf32>
    %broadcast_in_dim3A_15 = arith.constant 0xFF800000 : f32
    %broadcast_in_dim3A_16 = vector.broadcast %broadcast_in_dim3A_15 : f32 to vector<8x512xf32>
    %broadcast_in_dim3A_17 = arith.constant 0xFF800000 : f32
    %broadcast_in_dim3A_18 = vector.broadcast %broadcast_in_dim3A_17 : f32 to vector<8x512xf32>
    %scan3A = arith.constant 0 : i32
    %scan3A_19 = arith.constant 392 : i32
    %scan3A_20 = arith.addi %scan3A, %scan3A_19 : i32
    %scan3A_21 = arith.constant 8 : i32
    %scan3A_22:10 = scf.for %scan3A_220 = %scan3A to %scan3A_20 step %scan3A_21 iter_args(%scan3A_221 = %broadcast_in_dim3A_0, %scan3A_222 = %broadcast_in_dim3A_2, %scan3A_223 = %broadcast_in_dim3A_4, %scan3A_224 = %broadcast_in_dim3A_6, %scan3A_225 = %broadcast_in_dim3A_8, %scan3A_226 = %broadcast_in_dim3A_10, %scan3A_227 = %broadcast_in_dim3A_12, %scan3A_228 = %broadcast_in_dim3A_14, %scan3A_229 = %broadcast_in_dim3A_16, %scan3A_230 = %broadcast_in_dim3A_18) -> (vector<8x512xf32>, vector<8x512xf32>, vector<8x512xf32>, vector<8x512xf32>, vector<8x512xf32>, vector<8x512xf32>, vector<8x512xf32>, vector<8x512xf32>, vector<8x512xf32>, vector<8x512xf32>)  : i32 {
      %mul3A_231 = arith.constant 8 : i32
      %mul3A_232 = arith.muli %scan3A_220, %mul3A_231 : i32
      %get3A_233 = arith.constant 0 : index
      %get3A_234 = arith.index_cast %mul3A_232 : i32 to index
      %get3A_235 = arith.constant 0 : index
      %get3A_236 = vector.load %arg2[%get3A_233, %get3A_234, %get3A_235] : memref<1x3136x512xf32, #tpu.memory_space<vmem>>, vector<1x8x512xf32>
      %get3A_237 = vector.shape_cast %get3A_236 : vector<1x8x512xf32> to vector<8x512xf32>
      %max3A = arith.maximumf %scan3A_221, %get3A_237 : vector<8x512xf32>
      %min3A = arith.minimumf %scan3A_221, %get3A_237 : vector<8x512xf32>
      %max3A_238 = arith.maximumf %scan3A_222, %min3A : vector<8x512xf32>
      %min3A_239 = arith.minimumf %scan3A_222, %min3A : vector<8x512xf32>
      %max3A_240 = arith.maximumf %scan3A_223, %min3A_239 : vector<8x512xf32>
      %min3A_241 = arith.minimumf %scan3A_223, %min3A_239 : vector<8x512xf32>
      %max3A_242 = arith.maximumf %scan3A_224, %min3A_241 : vector<8x512xf32>
      %min3A_243 = arith.minimumf %scan3A_224, %min3A_241 : vector<8x512xf32>
      %max3A_244 = arith.maximumf %scan3A_225, %min3A_243 : vector<8x512xf32>
      %min3A_245 = arith.minimumf %scan3A_225, %min3A_243 : vector<8x512xf32>
      %max3A_246 = arith.maximumf %scan3A_226, %min3A_245 : vector<8x512xf32>
      %min3A_247 = arith.minimumf %scan3A_226, %min3A_245 : vector<8x512xf32>
      %max3A_248 = arith.maximumf %scan3A_227, %min3A_247 : vector<8x512xf32>
      %min3A_249 = arith.minimumf %scan3A_227, %min3A_247 : vector<8x512xf32>
      %max3A_250 = arith.maximumf %scan3A_228, %min3A_249 : vector<8x512xf32>
      %min3A_251 = arith.minimumf %scan3A_228, %min3A_249 : vector<8x512xf32>
      %max3A_252 = arith.maximumf %scan3A_229, %min3A_251 : vector<8x512xf32>
      %min3A_253 = arith.minimumf %scan3A_229, %min3A_251 : vector<8x512xf32>
      %max3A_254 = arith.maximumf %scan3A_230, %min3A_253 : vector<8x512xf32>
      %scan3A_255 = arith.constant 1 : i32
      %scan3A_256 = arith.addi %scan3A_220, %scan3A_255 : i32
      %mul3A_257 = arith.constant 8 : i32
      %mul3A_258 = arith.muli %scan3A_256, %mul3A_257 : i32
      %get3A_259 = arith.constant 0 : index
      %get3A_260 = arith.index_cast %mul3A_258 : i32 to index
      %get3A_261 = arith.constant 0 : index
      %get3A_262 = vector.load %arg2[%get3A_259, %get3A_260, %get3A_261] : memref<1x3136x512xf32, #tpu.memory_space<vmem>>, vector<1x8x512xf32>
      %get3A_263 = vector.shape_cast %get3A_262 : vector<1x8x512xf32> to vector<8x512xf32>
      %max3A_264 = arith.maximumf %max3A, %get3A_263 : vector<8x512xf32>
      %min3A_265 = arith.minimumf %max3A, %get3A_263 : vector<8x512xf32>
      %max3A_266 = arith.maximumf %max3A_238, %min3A_265 : vector<8x512xf32>
      %min3A_267 = arith.minimumf %max3A_238, %min3A_265 : vector<8x512xf32>
      %max3A_268 = arith.maximumf %max3A_240, %min3A_267 : vector<8x512xf32>
      %min3A_269 = arith.minimumf %max3A_240, %min3A_267 : vector<8x512xf32>
      %max3A_270 = arith.maximumf %max3A_242, %min3A_269 : vector<8x512xf32>
      %min3A_271 = arith.minimumf %max3A_242, %min3A_269 : vector<8x512xf32>
      %max3A_272 = arith.maximumf %max3A_244, %min3A_271 : vector<8x512xf32>
      %min3A_273 = arith.minimumf %max3A_244, %min3A_271 : vector<8x512xf32>
      %max3A_274 = arith.maximumf %max3A_246, %min3A_273 : vector<8x512xf32>
      %min3A_275 = arith.minimumf %max3A_246, %min3A_273 : vector<8x512xf32>
      %max3A_276 = arith.maximumf %max3A_248, %min3A_275 : vector<8x512xf32>
      %min3A_277 = arith.minimumf %max3A_248, %min3A_275 : vector<8x512xf32>
      %max3A_278 = arith.maximumf %max3A_250, %min3A_277 : vector<8x512xf32>
      %min3A_279 = arith.minimumf %max3A_250, %min3A_277 : vector<8x512xf32>
      %max3A_280 = arith.maximumf %max3A_252, %min3A_279 : vector<8x512xf32>
      %min3A_281 = arith.minimumf %max3A_252, %min3A_279 : vector<8x512xf32>
      %max3A_282 = arith.maximumf %max3A_254, %min3A_281 : vector<8x512xf32>
      %scan3A_283 = arith.constant 2 : i32
      %scan3A_284 = arith.addi %scan3A_220, %scan3A_283 : i32
      %mul3A_285 = arith.constant 8 : i32
      %mul3A_286 = arith.muli %scan3A_284, %mul3A_285 : i32
      %get3A_287 = arith.constant 0 : index
      %get3A_288 = arith.index_cast %mul3A_286 : i32 to index
      %get3A_289 = arith.constant 0 : index
      %get3A_290 = vector.load %arg2[%get3A_287, %get3A_288, %get3A_289] : memref<1x3136x512xf32, #tpu.memory_space<vmem>>, vector<1x8x512xf32>
      %get3A_291 = vector.shape_cast %get3A_290 : vector<1x8x512xf32> to vector<8x512xf32>
      %max3A_292 = arith.maximumf %max3A_264, %get3A_291 : vector<8x512xf32>
      %min3A_293 = arith.minimumf %max3A_264, %get3A_291 : vector<8x512xf32>
      %max3A_294 = arith.maximumf %max3A_266, %min3A_293 : vector<8x512xf32>
      %min3A_295 = arith.minimumf %max3A_266, %min3A_293 : vector<8x512xf32>
      %max3A_296 = arith.maximumf %max3A_268, %min3A_295 : vector<8x512xf32>
      %min3A_297 = arith.minimumf %max3A_268, %min3A_295 : vector<8x512xf32>
      %max3A_298 = arith.maximumf %max3A_270, %min3A_297 : vector<8x512xf32>
      %min3A_299 = arith.minimumf %max3A_270, %min3A_297 : vector<8x512xf32>
      %max3A_300 = arith.maximumf %max3A_272, %min3A_299 : vector<8x512xf32>
      %min3A_301 = arith.minimumf %max3A_272, %min3A_299 : vector<8x512xf32>
      %max3A_302 = arith.maximumf %max3A_274, %min3A_301 : vector<8x512xf32>
      %min3A_303 = arith.minimumf %max3A_274, %min3A_301 : vector<8x512xf32>
      %max3A_304 = arith.maximumf %max3A_276, %min3A_303 : vector<8x512xf32>
      %min3A_305 = arith.minimumf %max3A_276, %min3A_303 : vector<8x512xf32>
      %max3A_306 = arith.maximumf %max3A_278, %min3A_305 : vector<8x512xf32>
      %min3A_307 = arith.minimumf %max3A_278, %min3A_305 : vector<8x512xf32>
      %max3A_308 = arith.maximumf %max3A_280, %min3A_307 : vector<8x512xf32>
      %min3A_309 = arith.minimumf %max3A_280, %min3A_307 : vector<8x512xf32>
      %max3A_310 = arith.maximumf %max3A_282, %min3A_309 : vector<8x512xf32>
      %scan3A_311 = arith.constant 3 : i32
      %scan3A_312 = arith.addi %scan3A_220, %scan3A_311 : i32
      %mul3A_313 = arith.constant 8 : i32
      %mul3A_314 = arith.muli %scan3A_312, %mul3A_313 : i32
      %get3A_315 = arith.constant 0 : index
      %get3A_316 = arith.index_cast %mul3A_314 : i32 to index
      %get3A_317 = arith.constant 0 : index
      %get3A_318 = vector.load %arg2[%get3A_315, %get3A_316, %get3A_317] : memref<1x3136x512xf32, #tpu.memory_space<vmem>>, vector<1x8x512xf32>
      %get3A_319 = vector.shape_cast %get3A_318 : vector<1x8x512xf32> to vector<8x512xf32>
      %max3A_320 = arith.maximumf %max3A_292, %get3A_319 : vector<8x512xf32>
      %min3A_321 = arith.minimumf %max3A_292, %get3A_319 : vector<8x512xf32>
      %max3A_322 = arith.maximumf %max3A_294, %min3A_321 : vector<8x512xf32>
      %min3A_323 = arith.minimumf %max3A_294, %min3A_321 : vector<8x512xf32>
      %max3A_324 = arith.maximumf %max3A_296, %min3A_323 : vector<8x512xf32>
      %min3A_325 = arith.minimumf %max3A_296, %min3A_323 : vector<8x512xf32>
      %max3A_326 = arith.maximumf %max3A_298, %min3A_325 : vector<8x512xf32>
      %min3A_327 = arith.minimumf %max3A_298, %min3A_325 : vector<8x512xf32>
      %max3A_328 = arith.maximumf %max3A_300, %min3A_327 : vector<8x512xf32>
      %min3A_329 = arith.minimumf %max3A_300, %min3A_327 : vector<8x512xf32>
      %max3A_330 = arith.maximumf %max3A_302, %min3A_329 : vector<8x512xf32>
      %min3A_331 = arith.minimumf %max3A_302, %min3A_329 : vector<8x512xf32>
      %max3A_332 = arith.maximumf %max3A_304, %min3A_331 : vector<8x512xf32>
      %min3A_333 = arith.minimumf %max3A_304, %min3A_331 : vector<8x512xf32>
      %max3A_334 = arith.maximumf %max3A_306, %min3A_333 : vector<8x512xf32>
      %min3A_335 = arith.minimumf %max3A_306, %min3A_333 : vector<8x512xf32>
      %max3A_336 = arith.maximumf %max3A_308, %min3A_335 : vector<8x512xf32>
      %min3A_337 = arith.minimumf %max3A_308, %min3A_335 : vector<8x512xf32>
      %max3A_338 = arith.maximumf %max3A_310, %min3A_337 : vector<8x512xf32>
      %scan3A_339 = arith.constant 4 : i32
      %scan3A_340 = arith.addi %scan3A_220, %scan3A_339 : i32
      %mul3A_341 = arith.constant 8 : i32
      %mul3A_342 = arith.muli %scan3A_340, %mul3A_341 : i32
      %get3A_343 = arith.constant 0 : index
      %get3A_344 = arith.index_cast %mul3A_342 : i32 to index
      %get3A_345 = arith.constant 0 : index
      %get3A_346 = vector.load %arg2[%get3A_343, %get3A_344, %get3A_345] : memref<1x3136x512xf32, #tpu.memory_space<vmem>>, vector<1x8x512xf32>
      %get3A_347 = vector.shape_cast %get3A_346 : vector<1x8x512xf32> to vector<8x512xf32>
      %max3A_348 = arith.maximumf %max3A_320, %get3A_347 : vector<8x512xf32>
      %min3A_349 = arith.minimumf %max3A_320, %get3A_347 : vector<8x512xf32>
      %max3A_350 = arith.maximumf %max3A_322, %min3A_349 : vector<8x512xf32>
      %min3A_351 = arith.minimumf %max3A_322, %min3A_349 : vector<8x512xf32>
      %max3A_352 = arith.maximumf %max3A_324, %min3A_351 : vector<8x512xf32>
      %min3A_353 = arith.minimumf %max3A_324, %min3A_351 : vector<8x512xf32>
      %max3A_354 = arith.maximumf %max3A_326, %min3A_353 : vector<8x512xf32>
      %min3A_355 = arith.minimumf %max3A_326, %min3A_353 : vector<8x512xf32>
      %max3A_356 = arith.maximumf %max3A_328, %min3A_355 : vector<8x512xf32>
      %min3A_357 = arith.minimumf %max3A_328, %min3A_355 : vector<8x512xf32>
      %max3A_358 = arith.maximumf %max3A_330, %min3A_357 : vector<8x512xf32>
      %min3A_359 = arith.minimumf %max3A_330, %min3A_357 : vector<8x512xf32>
      %max3A_360 = arith.maximumf %max3A_332, %min3A_359 : vector<8x512xf32>
      %min3A_361 = arith.minimumf %max3A_332, %min3A_359 : vector<8x512xf32>
      %max3A_362 = arith.maximumf %max3A_334, %min3A_361 : vector<8x512xf32>
      %min3A_363 = arith.minimumf %max3A_334, %min3A_361 : vector<8x512xf32>
      %max3A_364 = arith.maximumf %max3A_336, %min3A_363 : vector<8x512xf32>
      %min3A_365 = arith.minimumf %max3A_336, %min3A_363 : vector<8x512xf32>
      %max3A_366 = arith.maximumf %max3A_338, %min3A_365 : vector<8x512xf32>
      %scan3A_367 = arith.constant 5 : i32
      %scan3A_368 = arith.addi %scan3A_220, %scan3A_367 : i32
      %mul3A_369 = arith.constant 8 : i32
      %mul3A_370 = arith.muli %scan3A_368, %mul3A_369 : i32
      %get3A_371 = arith.constant 0 : index
      %get3A_372 = arith.index_cast %mul3A_370 : i32 to index
      %get3A_373 = arith.constant 0 : index
      %get3A_374 = vector.load %arg2[%get3A_371, %get3A_372, %get3A_373] : memref<1x3136x512xf32, #tpu.memory_space<vmem>>, vector<1x8x512xf32>
      %get3A_375 = vector.shape_cast %get3A_374 : vector<1x8x512xf32> to vector<8x512xf32>
      %max3A_376 = arith.maximumf %max3A_348, %get3A_375 : vector<8x512xf32>
      %min3A_377 = arith.minimumf %max3A_348, %get3A_375 : vector<8x512xf32>
      %max3A_378 = arith.maximumf %max3A_350, %min3A_377 : vector<8x512xf32>
      %min3A_379 = arith.minimumf %max3A_350, %min3A_377 : vector<8x512xf32>
      %max3A_380 = arith.maximumf %max3A_352, %min3A_379 : vector<8x512xf32>
      %min3A_381 = arith.minimumf %max3A_352, %min3A_379 : vector<8x512xf32>
      %max3A_382 = arith.maximumf %max3A_354, %min3A_381 : vector<8x512xf32>
      %min3A_383 = arith.minimumf %max3A_354, %min3A_381 : vector<8x512xf32>
      %max3A_384 = arith.maximumf %max3A_356, %min3A_383 : vector<8x512xf32>
      %min3A_385 = arith.minimumf %max3A_356, %min3A_383 : vector<8x512xf32>
      %max3A_386 = arith.maximumf %max3A_358, %min3A_385 : vector<8x512xf32>
      %min3A_387 = arith.minimumf %max3A_358, %min3A_385 : vector<8x512xf32>
      %max3A_388 = arith.maximumf %max3A_360, %min3A_387 : vector<8x512xf32>
      %min3A_389 = arith.minimumf %max3A_360, %min3A_387 : vector<8x512xf32>
      %max3A_390 = arith.maximumf %max3A_362, %min3A_389 : vector<8x512xf32>
      %min3A_391 = arith.minimumf %max3A_362, %min3A_389 : vector<8x512xf32>
      %max3A_392 = arith.maximumf %max3A_364, %min3A_391 : vector<8x512xf32>
      %min3A_393 = arith.minimumf %max3A_364, %min3A_391 : vector<8x512xf32>
      %max3A_394 = arith.maximumf %max3A_366, %min3A_393 : vector<8x512xf32>
      %scan3A_395 = arith.constant 6 : i32
      %scan3A_396 = arith.addi %scan3A_220, %scan3A_395 : i32
      %mul3A_397 = arith.constant 8 : i32
      %mul3A_398 = arith.muli %scan3A_396, %mul3A_397 : i32
      %get3A_399 = arith.constant 0 : index
      %get3A_400 = arith.index_cast %mul3A_398 : i32 to index
      %get3A_401 = arith.constant 0 : index
      %get3A_402 = vector.load %arg2[%get3A_399, %get3A_400, %get3A_401] : memref<1x3136x512xf32, #tpu.memory_space<vmem>>, vector<1x8x512xf32>
      %get3A_403 = vector.shape_cast %get3A_402 : vector<1x8x512xf32> to vector<8x512xf32>
      %max3A_404 = arith.maximumf %max3A_376, %get3A_403 : vector<8x512xf32>
      %min3A_405 = arith.minimumf %max3A_376, %get3A_403 : vector<8x512xf32>
      %max3A_406 = arith.maximumf %max3A_378, %min3A_405 : vector<8x512xf32>
      %min3A_407 = arith.minimumf %max3A_378, %min3A_405 : vector<8x512xf32>
      %max3A_408 = arith.maximumf %max3A_380, %min3A_407 : vector<8x512xf32>
      %min3A_409 = arith.minimumf %max3A_380, %min3A_407 : vector<8x512xf32>
      %max3A_410 = arith.maximumf %max3A_382, %min3A_409 : vector<8x512xf32>
      %min3A_411 = arith.minimumf %max3A_382, %min3A_409 : vector<8x512xf32>
      %max3A_412 = arith.maximumf %max3A_384, %min3A_411 : vector<8x512xf32>
      %min3A_413 = arith.minimumf %max3A_384, %min3A_411 : vector<8x512xf32>
      %max3A_414 = arith.maximumf %max3A_386, %min3A_413 : vector<8x512xf32>
      %min3A_415 = arith.minimumf %max3A_386, %min3A_413 : vector<8x512xf32>
      %max3A_416 = arith.maximumf %max3A_388, %min3A_415 : vector<8x512xf32>
      %min3A_417 = arith.minimumf %max3A_388, %min3A_415 : vector<8x512xf32>
      %max3A_418 = arith.maximumf %max3A_390, %min3A_417 : vector<8x512xf32>
      %min3A_419 = arith.minimumf %max3A_390, %min3A_417 : vector<8x512xf32>
      %max3A_420 = arith.maximumf %max3A_392, %min3A_419 : vector<8x512xf32>
      %min3A_421 = arith.minimumf %max3A_392, %min3A_419 : vector<8x512xf32>
      %max3A_422 = arith.maximumf %max3A_394, %min3A_421 : vector<8x512xf32>
      %scan3A_423 = arith.constant 7 : i32
      %scan3A_424 = arith.addi %scan3A_220, %scan3A_423 : i32
      %mul3A_425 = arith.constant 8 : i32
      %mul3A_426 = arith.muli %scan3A_424, %mul3A_425 : i32
      %get3A_427 = arith.constant 0 : index
      %get3A_428 = arith.index_cast %mul3A_426 : i32 to index
      %get3A_429 = arith.constant 0 : index
      %get3A_430 = vector.load %arg2[%get3A_427, %get3A_428, %get3A_429] : memref<1x3136x512xf32, #tpu.memory_space<vmem>>, vector<1x8x512xf32>
      %get3A_431 = vector.shape_cast %get3A_430 : vector<1x8x512xf32> to vector<8x512xf32>
      %max3A_432 = arith.maximumf %max3A_404, %get3A_431 : vector<8x512xf32>
      %min3A_433 = arith.minimumf %max3A_404, %get3A_431 : vector<8x512xf32>
      %max3A_434 = arith.maximumf %max3A_406, %min3A_433 : vector<8x512xf32>
      %min3A_435 = arith.minimumf %max3A_406, %min3A_433 : vector<8x512xf32>
      %max3A_436 = arith.maximumf %max3A_408, %min3A_435 : vector<8x512xf32>
      %min3A_437 = arith.minimumf %max3A_408, %min3A_435 : vector<8x512xf32>
      %max3A_438 = arith.maximumf %max3A_410, %min3A_437 : vector<8x512xf32>
      %min3A_439 = arith.minimumf %max3A_410, %min3A_437 : vector<8x512xf32>
      %max3A_440 = arith.maximumf %max3A_412, %min3A_439 : vector<8x512xf32>
      %min3A_441 = arith.minimumf %max3A_412, %min3A_439 : vector<8x512xf32>
      %max3A_442 = arith.maximumf %max3A_414, %min3A_441 : vector<8x512xf32>
      %min3A_443 = arith.minimumf %max3A_414, %min3A_441 : vector<8x512xf32>
      %max3A_444 = arith.maximumf %max3A_416, %min3A_443 : vector<8x512xf32>
      %min3A_445 = arith.minimumf %max3A_416, %min3A_443 : vector<8x512xf32>
      %max3A_446 = arith.maximumf %max3A_418, %min3A_445 : vector<8x512xf32>
      %min3A_447 = arith.minimumf %max3A_418, %min3A_445 : vector<8x512xf32>
      %max3A_448 = arith.maximumf %max3A_420, %min3A_447 : vector<8x512xf32>
      %min3A_449 = arith.minimumf %max3A_420, %min3A_447 : vector<8x512xf32>
      %max3A_450 = arith.maximumf %max3A_422, %min3A_449 : vector<8x512xf32>
      scf.yield %max3A_432, %max3A_434, %max3A_436, %max3A_438, %max3A_440, %max3A_442, %max3A_444, %max3A_446, %max3A_448, %max3A_450 : vector<8x512xf32>, vector<8x512xf32>, vector<8x512xf32>, vector<8x512xf32>, vector<8x512xf32>, vector<8x512xf32>, vector<8x512xf32>, vector<8x512xf32>, vector<8x512xf32>, vector<8x512xf32>
    }
    %scan3A_23 = arith.constant 392 : i32
    %concatenate3A = tpu.concatenate %scan3A_22#0, %scan3A_22#1, %scan3A_22#2, %scan3A_22#3, %scan3A_22#4, %scan3A_22#5, %scan3A_22#6, %scan3A_22#7, %scan3A_22#8, %scan3A_22#9 in 0 : vector<8x512xf32>, vector<8x512xf32>, vector<8x512xf32>, vector<8x512xf32>, vector<8x512xf32>, vector<8x512xf32>, vector<8x512xf32>, vector<8x512xf32>, vector<8x512xf32>, vector<8x512xf32> -> vector<80x512xf32>
    %broadcast_in_dim3A_24 = arith.constant 1.000000e+01 : f32
    %broadcast_in_dim3A_25 = vector.broadcast %broadcast_in_dim3A_24 : f32 to vector<1x512xf32>
    %broadcast_in_dim3A_26 = arith.constant 0xFF800000 : f32
    %broadcast_in_dim3A_27 = vector.broadcast %broadcast_in_dim3A_26 : f32 to vector<1x512xf32>
    %reduce_max3A = arith.constant dense<0xFF800000> : vector<512xf32>
    %reduce_max3A_28 = vector.multi_reduction <maximumf>, %concatenate3A, %reduce_max3A [0] : vector<80x512xf32> to vector<512xf32>
    %broadcast_in_dim3A_29 = vector.shape_cast %reduce_max3A_28 : vector<512xf32> to vector<1x512xf32>
    %ge3A = vector.broadcast %broadcast_in_dim3A_29 : vector<1x512xf32> to vector<80x512xf32>
    %ge3A_30 = arith.cmpf oge, %concatenate3A, %ge3A : vector<80x512xf32>
    %convert_element_type3A = arith.extui %ge3A_30 : vector<80x512xi1> to vector<80x512xi32>
    %convert_element_type3A_31 = arith.sitofp %convert_element_type3A : vector<80x512xi32> to vector<80x512xf32>
    %reduce_sum3A = arith.constant dense<0.000000e+00> : vector<512xf32>
    %reduce_sum3A_32 = vector.multi_reduction <add>, %convert_element_type3A_31, %reduce_sum3A [0] : vector<80x512xf32> to vector<512xf32>
    %broadcast_in_dim3A_33 = vector.shape_cast %reduce_sum3A_32 : vector<512xf32> to vector<1x512xf32>
    %gt3A = arith.constant 0.000000e+00 : f32
    %gt3A_34 = vector.broadcast %gt3A : f32 to vector<1x512xf32>
    %gt3A_35 = arith.cmpf ogt, %broadcast_in_dim3A_25, %gt3A_34 : vector<1x512xf32>
    %select_n3A = arith.select %gt3A_35, %broadcast_in_dim3A_29, %broadcast_in_dim3A_27 : vector<1x512xi1>, vector<1x512xf32>
    %sub3A = arith.subf %broadcast_in_dim3A_25, %broadcast_in_dim3A_33 : vector<1x512xf32>
    %jit3A = arith.constant 0xFF800000 : f32
    %broadcast_in_dim3A_36 = vector.broadcast %jit3A : f32 to vector<80x512xf32>
    %select_n3A_37 = arith.select %ge3A_30, %broadcast_in_dim3A_36, %concatenate3A : vector<80x512xi1>, vector<80x512xf32>
    %reduce_max3A_38 = arith.constant dense<0xFF800000> : vector<512xf32>
    %reduce_max3A_39 = vector.multi_reduction <maximumf>, %select_n3A_37, %reduce_max3A_38 [0] : vector<80x512xf32> to vector<512xf32>
    %broadcast_in_dim3A_40 = vector.shape_cast %reduce_max3A_39 : vector<512xf32> to vector<1x512xf32>
    %ge3A_41 = vector.broadcast %broadcast_in_dim3A_40 : vector<1x512xf32> to vector<80x512xf32>
    %ge3A_42 = arith.cmpf oge, %select_n3A_37, %ge3A_41 : vector<80x512xf32>
    %convert_element_type3A_43 = arith.extui %ge3A_42 : vector<80x512xi1> to vector<80x512xi32>
    %convert_element_type3A_44 = arith.sitofp %convert_element_type3A_43 : vector<80x512xi32> to vector<80x512xf32>
    %reduce_sum3A_45 = arith.constant dense<0.000000e+00> : vector<512xf32>
    %reduce_sum3A_46 = vector.multi_reduction <add>, %convert_element_type3A_44, %reduce_sum3A_45 [0] : vector<80x512xf32> to vector<512xf32>
    %broadcast_in_dim3A_47 = vector.shape_cast %reduce_sum3A_46 : vector<512xf32> to vector<1x512xf32>
    %gt3A_48 = arith.constant 0.000000e+00 : f32
    %gt3A_49 = vector.broadcast %gt3A_48 : f32 to vector<1x512xf32>
    %gt3A_50 = arith.cmpf ogt, %sub3A, %gt3A_49 : vector<1x512xf32>
    %select_n3A_51 = arith.select %gt3A_50, %broadcast_in_dim3A_40, %select_n3A : vector<1x512xi1>, vector<1x512xf32>
    %sub3A_52 = arith.subf %sub3A, %broadcast_in_dim3A_47 : vector<1x512xf32>
    %jit3A_53 = arith.constant 0xFF800000 : f32
    %broadcast_in_dim3A_54 = vector.broadcast %jit3A_53 : f32 to vector<80x512xf32>
    %select_n3A_55 = arith.select %ge3A_42, %broadcast_in_dim3A_54, %select_n3A_37 : vector<80x512xi1>, vector<80x512xf32>
    %reduce_max3A_56 = arith.constant dense<0xFF800000> : vector<512xf32>
    %reduce_max3A_57 = vector.multi_reduction <maximumf>, %select_n3A_55, %reduce_max3A_56 [0] : vector<80x512xf32> to vector<512xf32>
    %broadcast_in_dim3A_58 = vector.shape_cast %reduce_max3A_57 : vector<512xf32> to vector<1x512xf32>
    %ge3A_59 = vector.broadcast %broadcast_in_dim3A_58 : vector<1x512xf32> to vector<80x512xf32>
    %ge3A_60 = arith.cmpf oge, %select_n3A_55, %ge3A_59 : vector<80x512xf32>
    %convert_element_type3A_61 = arith.extui %ge3A_60 : vector<80x512xi1> to vector<80x512xi32>
    %convert_element_type3A_62 = arith.sitofp %convert_element_type3A_61 : vector<80x512xi32> to vector<80x512xf32>
    %reduce_sum3A_63 = arith.constant dense<0.000000e+00> : vector<512xf32>
    %reduce_sum3A_64 = vector.multi_reduction <add>, %convert_element_type3A_62, %reduce_sum3A_63 [0] : vector<80x512xf32> to vector<512xf32>
    %broadcast_in_dim3A_65 = vector.shape_cast %reduce_sum3A_64 : vector<512xf32> to vector<1x512xf32>
    %gt3A_66 = arith.constant 0.000000e+00 : f32
    %gt3A_67 = vector.broadcast %gt3A_66 : f32 to vector<1x512xf32>
    %gt3A_68 = arith.cmpf ogt, %sub3A_52, %gt3A_67 : vector<1x512xf32>
    %select_n3A_69 = arith.select %gt3A_68, %broadcast_in_dim3A_58, %select_n3A_51 : vector<1x512xi1>, vector<1x512xf32>
    %sub3A_70 = arith.subf %sub3A_52, %broadcast_in_dim3A_65 : vector<1x512xf32>
    %jit3A_71 = arith.constant 0xFF800000 : f32
    %broadcast_in_dim3A_72 = vector.broadcast %jit3A_71 : f32 to vector<80x512xf32>
    %select_n3A_73 = arith.select %ge3A_60, %broadcast_in_dim3A_72, %select_n3A_55 : vector<80x512xi1>, vector<80x512xf32>
    %reduce_max3A_74 = arith.constant dense<0xFF800000> : vector<512xf32>
    %reduce_max3A_75 = vector.multi_reduction <maximumf>, %select_n3A_73, %reduce_max3A_74 [0] : vector<80x512xf32> to vector<512xf32>
    %broadcast_in_dim3A_76 = vector.shape_cast %reduce_max3A_75 : vector<512xf32> to vector<1x512xf32>
    %ge3A_77 = vector.broadcast %broadcast_in_dim3A_76 : vector<1x512xf32> to vector<80x512xf32>
    %ge3A_78 = arith.cmpf oge, %select_n3A_73, %ge3A_77 : vector<80x512xf32>
    %convert_element_type3A_79 = arith.extui %ge3A_78 : vector<80x512xi1> to vector<80x512xi32>
    %convert_element_type3A_80 = arith.sitofp %convert_element_type3A_79 : vector<80x512xi32> to vector<80x512xf32>
    %reduce_sum3A_81 = arith.constant dense<0.000000e+00> : vector<512xf32>
    %reduce_sum3A_82 = vector.multi_reduction <add>, %convert_element_type3A_80, %reduce_sum3A_81 [0] : vector<80x512xf32> to vector<512xf32>
    %broadcast_in_dim3A_83 = vector.shape_cast %reduce_sum3A_82 : vector<512xf32> to vector<1x512xf32>
    %gt3A_84 = arith.constant 0.000000e+00 : f32
    %gt3A_85 = vector.broadcast %gt3A_84 : f32 to vector<1x512xf32>
    %gt3A_86 = arith.cmpf ogt, %sub3A_70, %gt3A_85 : vector<1x512xf32>
    %select_n3A_87 = arith.select %gt3A_86, %broadcast_in_dim3A_76, %select_n3A_69 : vector<1x512xi1>, vector<1x512xf32>
    %sub3A_88 = arith.subf %sub3A_70, %broadcast_in_dim3A_83 : vector<1x512xf32>
    %jit3A_89 = arith.constant 0xFF800000 : f32
    %broadcast_in_dim3A_90 = vector.broadcast %jit3A_89 : f32 to vector<80x512xf32>
    %select_n3A_91 = arith.select %ge3A_78, %broadcast_in_dim3A_90, %select_n3A_73 : vector<80x512xi1>, vector<80x512xf32>
    %reduce_max3A_92 = arith.constant dense<0xFF800000> : vector<512xf32>
    %reduce_max3A_93 = vector.multi_reduction <maximumf>, %select_n3A_91, %reduce_max3A_92 [0] : vector<80x512xf32> to vector<512xf32>
    %broadcast_in_dim3A_94 = vector.shape_cast %reduce_max3A_93 : vector<512xf32> to vector<1x512xf32>
    %ge3A_95 = vector.broadcast %broadcast_in_dim3A_94 : vector<1x512xf32> to vector<80x512xf32>
    %ge3A_96 = arith.cmpf oge, %select_n3A_91, %ge3A_95 : vector<80x512xf32>
    %convert_element_type3A_97 = arith.extui %ge3A_96 : vector<80x512xi1> to vector<80x512xi32>
    %convert_element_type3A_98 = arith.sitofp %convert_element_type3A_97 : vector<80x512xi32> to vector<80x512xf32>
    %reduce_sum3A_99 = arith.constant dense<0.000000e+00> : vector<512xf32>
    %reduce_sum3A_100 = vector.multi_reduction <add>, %convert_element_type3A_98, %reduce_sum3A_99 [0] : vector<80x512xf32> to vector<512xf32>
    %broadcast_in_dim3A_101 = vector.shape_cast %reduce_sum3A_100 : vector<512xf32> to vector<1x512xf32>
    %gt3A_102 = arith.constant 0.000000e+00 : f32
    %gt3A_103 = vector.broadcast %gt3A_102 : f32 to vector<1x512xf32>
    %gt3A_104 = arith.cmpf ogt, %sub3A_88, %gt3A_103 : vector<1x512xf32>
    %select_n3A_105 = arith.select %gt3A_104, %broadcast_in_dim3A_94, %select_n3A_87 : vector<1x512xi1>, vector<1x512xf32>
    %sub3A_106 = arith.subf %sub3A_88, %broadcast_in_dim3A_101 : vector<1x512xf32>
    %jit3A_107 = arith.constant 0xFF800000 : f32
    %broadcast_in_dim3A_108 = vector.broadcast %jit3A_107 : f32 to vector<80x512xf32>
    %select_n3A_109 = arith.select %ge3A_96, %broadcast_in_dim3A_108, %select_n3A_91 : vector<80x512xi1>, vector<80x512xf32>
    %reduce_max3A_110 = arith.constant dense<0xFF800000> : vector<512xf32>
    %reduce_max3A_111 = vector.multi_reduction <maximumf>, %select_n3A_109, %reduce_max3A_110 [0] : vector<80x512xf32> to vector<512xf32>
    %broadcast_in_dim3A_112 = vector.shape_cast %reduce_max3A_111 : vector<512xf32> to vector<1x512xf32>
    %ge3A_113 = vector.broadcast %broadcast_in_dim3A_112 : vector<1x512xf32> to vector<80x512xf32>
    %ge3A_114 = arith.cmpf oge, %select_n3A_109, %ge3A_113 : vector<80x512xf32>
    %convert_element_type3A_115 = arith.extui %ge3A_114 : vector<80x512xi1> to vector<80x512xi32>
    %convert_element_type3A_116 = arith.sitofp %convert_element_type3A_115 : vector<80x512xi32> to vector<80x512xf32>
    %reduce_sum3A_117 = arith.constant dense<0.000000e+00> : vector<512xf32>
    %reduce_sum3A_118 = vector.multi_reduction <add>, %convert_element_type3A_116, %reduce_sum3A_117 [0] : vector<80x512xf32> to vector<512xf32>
    %broadcast_in_dim3A_119 = vector.shape_cast %reduce_sum3A_118 : vector<512xf32> to vector<1x512xf32>
    %gt3A_120 = arith.constant 0.000000e+00 : f32
    %gt3A_121 = vector.broadcast %gt3A_120 : f32 to vector<1x512xf32>
    %gt3A_122 = arith.cmpf ogt, %sub3A_106, %gt3A_121 : vector<1x512xf32>
    %select_n3A_123 = arith.select %gt3A_122, %broadcast_in_dim3A_112, %select_n3A_105 : vector<1x512xi1>, vector<1x512xf32>
    %sub3A_124 = arith.subf %sub3A_106, %broadcast_in_dim3A_119 : vector<1x512xf32>
    %jit3A_125 = arith.constant 0xFF800000 : f32
    %broadcast_in_dim3A_126 = vector.broadcast %jit3A_125 : f32 to vector<80x512xf32>
    %select_n3A_127 = arith.select %ge3A_114, %broadcast_in_dim3A_126, %select_n3A_109 : vector<80x512xi1>, vector<80x512xf32>
    %reduce_max3A_128 = arith.constant dense<0xFF800000> : vector<512xf32>
    %reduce_max3A_129 = vector.multi_reduction <maximumf>, %select_n3A_127, %reduce_max3A_128 [0] : vector<80x512xf32> to vector<512xf32>
    %broadcast_in_dim3A_130 = vector.shape_cast %reduce_max3A_129 : vector<512xf32> to vector<1x512xf32>
    %ge3A_131 = vector.broadcast %broadcast_in_dim3A_130 : vector<1x512xf32> to vector<80x512xf32>
    %ge3A_132 = arith.cmpf oge, %select_n3A_127, %ge3A_131 : vector<80x512xf32>
    %convert_element_type3A_133 = arith.extui %ge3A_132 : vector<80x512xi1> to vector<80x512xi32>
    %convert_element_type3A_134 = arith.sitofp %convert_element_type3A_133 : vector<80x512xi32> to vector<80x512xf32>
    %reduce_sum3A_135 = arith.constant dense<0.000000e+00> : vector<512xf32>
    %reduce_sum3A_136 = vector.multi_reduction <add>, %convert_element_type3A_134, %reduce_sum3A_135 [0] : vector<80x512xf32> to vector<512xf32>
    %broadcast_in_dim3A_137 = vector.shape_cast %reduce_sum3A_136 : vector<512xf32> to vector<1x512xf32>
    %gt3A_138 = arith.constant 0.000000e+00 : f32
    %gt3A_139 = vector.broadcast %gt3A_138 : f32 to vector<1x512xf32>
    %gt3A_140 = arith.cmpf ogt, %sub3A_124, %gt3A_139 : vector<1x512xf32>
    %select_n3A_141 = arith.select %gt3A_140, %broadcast_in_dim3A_130, %select_n3A_123 : vector<1x512xi1>, vector<1x512xf32>
    %sub3A_142 = arith.subf %sub3A_124, %broadcast_in_dim3A_137 : vector<1x512xf32>
    %jit3A_143 = arith.constant 0xFF800000 : f32
    %broadcast_in_dim3A_144 = vector.broadcast %jit3A_143 : f32 to vector<80x512xf32>
    %select_n3A_145 = arith.select %ge3A_132, %broadcast_in_dim3A_144, %select_n3A_127 : vector<80x512xi1>, vector<80x512xf32>
    %reduce_max3A_146 = arith.constant dense<0xFF800000> : vector<512xf32>
    %reduce_max3A_147 = vector.multi_reduction <maximumf>, %select_n3A_145, %reduce_max3A_146 [0] : vector<80x512xf32> to vector<512xf32>
    %broadcast_in_dim3A_148 = vector.shape_cast %reduce_max3A_147 : vector<512xf32> to vector<1x512xf32>
    %ge3A_149 = vector.broadcast %broadcast_in_dim3A_148 : vector<1x512xf32> to vector<80x512xf32>
    %ge3A_150 = arith.cmpf oge, %select_n3A_145, %ge3A_149 : vector<80x512xf32>
    %convert_element_type3A_151 = arith.extui %ge3A_150 : vector<80x512xi1> to vector<80x512xi32>
    %convert_element_type3A_152 = arith.sitofp %convert_element_type3A_151 : vector<80x512xi32> to vector<80x512xf32>
    %reduce_sum3A_153 = arith.constant dense<0.000000e+00> : vector<512xf32>
    %reduce_sum3A_154 = vector.multi_reduction <add>, %convert_element_type3A_152, %reduce_sum3A_153 [0] : vector<80x512xf32> to vector<512xf32>
    %broadcast_in_dim3A_155 = vector.shape_cast %reduce_sum3A_154 : vector<512xf32> to vector<1x512xf32>
    %gt3A_156 = arith.constant 0.000000e+00 : f32
    %gt3A_157 = vector.broadcast %gt3A_156 : f32 to vector<1x512xf32>
    %gt3A_158 = arith.cmpf ogt, %sub3A_142, %gt3A_157 : vector<1x512xf32>
    %select_n3A_159 = arith.select %gt3A_158, %broadcast_in_dim3A_148, %select_n3A_141 : vector<1x512xi1>, vector<1x512xf32>
    %sub3A_160 = arith.subf %sub3A_142, %broadcast_in_dim3A_155 : vector<1x512xf32>
    %jit3A_161 = arith.constant 0xFF800000 : f32
    %broadcast_in_dim3A_162 = vector.broadcast %jit3A_161 : f32 to vector<80x512xf32>
    %select_n3A_163 = arith.select %ge3A_150, %broadcast_in_dim3A_162, %select_n3A_145 : vector<80x512xi1>, vector<80x512xf32>
    %reduce_max3A_164 = arith.constant dense<0xFF800000> : vector<512xf32>
    %reduce_max3A_165 = vector.multi_reduction <maximumf>, %select_n3A_163, %reduce_max3A_164 [0] : vector<80x512xf32> to vector<512xf32>
    %broadcast_in_dim3A_166 = vector.shape_cast %reduce_max3A_165 : vector<512xf32> to vector<1x512xf32>
    %ge3A_167 = vector.broadcast %broadcast_in_dim3A_166 : vector<1x512xf32> to vector<80x512xf32>
    %ge3A_168 = arith.cmpf oge, %select_n3A_163, %ge3A_167 : vector<80x512xf32>
    %convert_element_type3A_169 = arith.extui %ge3A_168 : vector<80x512xi1> to vector<80x512xi32>
    %convert_element_type3A_170 = arith.sitofp %convert_element_type3A_169 : vector<80x512xi32> to vector<80x512xf32>
    %reduce_sum3A_171 = arith.constant dense<0.000000e+00> : vector<512xf32>
    %reduce_sum3A_172 = vector.multi_reduction <add>, %convert_element_type3A_170, %reduce_sum3A_171 [0] : vector<80x512xf32> to vector<512xf32>
    %broadcast_in_dim3A_173 = vector.shape_cast %reduce_sum3A_172 : vector<512xf32> to vector<1x512xf32>
    %gt3A_174 = arith.constant 0.000000e+00 : f32
    %gt3A_175 = vector.broadcast %gt3A_174 : f32 to vector<1x512xf32>
    %gt3A_176 = arith.cmpf ogt, %sub3A_160, %gt3A_175 : vector<1x512xf32>
    %select_n3A_177 = arith.select %gt3A_176, %broadcast_in_dim3A_166, %select_n3A_159 : vector<1x512xi1>, vector<1x512xf32>
    %sub3A_178 = arith.subf %sub3A_160, %broadcast_in_dim3A_173 : vector<1x512xf32>
    %jit3A_179 = arith.constant 0xFF800000 : f32
    %broadcast_in_dim3A_180 = vector.broadcast %jit3A_179 : f32 to vector<80x512xf32>
    %select_n3A_181 = arith.select %ge3A_168, %broadcast_in_dim3A_180, %select_n3A_163 : vector<80x512xi1>, vector<80x512xf32>
    %reduce_max3A_182 = arith.constant dense<0xFF800000> : vector<512xf32>
    %reduce_max3A_183 = vector.multi_reduction <maximumf>, %select_n3A_181, %reduce_max3A_182 [0] : vector<80x512xf32> to vector<512xf32>
    %broadcast_in_dim3A_184 = vector.shape_cast %reduce_max3A_183 : vector<512xf32> to vector<1x512xf32>
    %gt3A_185 = arith.constant 0.000000e+00 : f32
    %gt3A_186 = vector.broadcast %gt3A_185 : f32 to vector<1x512xf32>
    %gt3A_187 = arith.cmpf ogt, %sub3A_178, %gt3A_186 : vector<1x512xf32>
    %select_n3A_188 = arith.select %gt3A_187, %broadcast_in_dim3A_184, %select_n3A_177 : vector<1x512xi1>, vector<1x512xf32>
    %get3A = arith.constant 0 : index
    %get3A_189 = arith.constant 0 : index
    %get3A_190 = arith.constant 0 : index
    %get3A_191 = vector.load %arg2[%get3A, %get3A_189, %get3A_190] : memref<1x3136x512xf32, #tpu.memory_space<vmem>>, vector<1x3136x512xf32>
    %get3A_192 = vector.shape_cast %get3A_191 : vector<1x3136x512xf32> to vector<3136x512xf32>
    %reduce_max3A_193 = arith.constant dense<0xFF800000> : vector<512xf32>
    %reduce_max3A_194 = vector.multi_reduction <maximumf>, %scan3A_22#0, %reduce_max3A_193 [0] : vector<8x512xf32> to vector<512xf32>
    %broadcast_in_dim3A_195 = vector.shape_cast %reduce_max3A_194 : vector<512xf32> to vector<1x512xf32>
    %ge3A_196 = vector.broadcast %select_n3A_188 : vector<1x512xf32> to vector<3136x512xf32>
    %ge3A_197 = arith.cmpf oge, %get3A_192, %ge3A_196 : vector<3136x512xf32>
    %sub3A_198 = vector.broadcast %broadcast_in_dim3A_195 : vector<1x512xf32> to vector<3136x512xf32>
    %sub3A_199 = arith.subf %get3A_192, %sub3A_198 : vector<3136x512xf32>
    %exp3A = math.exp %sub3A_199 : vector<3136x512xf32>
    %jit3A_200 = arith.constant 0.000000e+00 : f32
    %broadcast_in_dim3A_201 = vector.broadcast %jit3A_200 : f32 to vector<3136x512xf32>
    %select_n3A_202 = arith.select %ge3A_197, %exp3A, %broadcast_in_dim3A_201 : vector<3136x512xi1>, vector<3136x512xf32>
    %reduce_sum3A_203 = arith.constant dense<0.000000e+00> : vector<512xf32>
    %reduce_sum3A_204 = vector.multi_reduction <add>, %select_n3A_202, %reduce_sum3A_203 [0] : vector<3136x512xf32> to vector<512xf32>
    %broadcast_in_dim3A_205 = vector.shape_cast %reduce_sum3A_204 : vector<512xf32> to vector<1x512xf32>
    %get3A_206 = arith.constant 0 : index
    %get3A_207 = arith.constant 0 : index
    %get3A_208 = arith.constant 0 : index
    %get3A_209 = vector.load %arg3[%get3A_206, %get3A_207, %get3A_208] : memref<1x256x3136xf32, #tpu.memory_space<vmem>>, vector<1x256x3136xf32>
    %get3A_210 = vector.shape_cast %get3A_209 : vector<1x256x3136xf32> to vector<256x3136xf32>
    %dot_general3A = arith.constant dense<0.000000e+00> : vector<256x512xf32>
    %dot_general3A_211 = tpu.matmul %get3A_210, %select_n3A_202, %dot_general3A {dimension_numbers = #tpu.dot_dimension_numbers<[1], [0], [0], [1], [0, 0, 1, 1], [], []>, transpose_lhs_hint = false} : vector<256x3136xf32>, vector<3136x512xf32>, vector<256x512xf32> -> vector<256x512xf32>
    %div3A = arith.constant 1.000000e+00 : f32
    %div3A_212 = vector.broadcast %div3A : f32 to vector<1x512xf32>
    %div3A_213 = arith.divf %div3A_212, %broadcast_in_dim3A_205 : vector<1x512xf32>
    %mul3A = vector.broadcast %div3A_213 : vector<1x512xf32> to vector<256x512xf32>
    %mul3A_214 = arith.mulf %dot_general3A_211, %mul3A : vector<256x512xf32>
    %swap3A = arith.constant 0 : index
    %swap3A_215 = arith.constant 0 : index
    %swap3A_216 = arith.constant 0 : index
    %swap3A_217 = vector.load %arg4[%swap3A, %swap3A_215, %swap3A_216] : memref<1x256x512xf32, #tpu.memory_space<vmem>>, vector<1x256x512xf32>
    %swap3A_218 = vector.shape_cast %swap3A_217 : vector<1x256x512xf32> to vector<256x512xf32>
    %swap3A_219 = vector.shape_cast %mul3A_214 : vector<256x512xf32> to vector<1x256x512xf32>
    tpu.vector_store %arg4[%swap3A, %swap3A_215, %swap3A_216], %swap3A_219 {strides = array<i32>} : memref<1x256x512xf32, #tpu.memory_space<vmem>>, vector<1x256x512xf32>,
    return
  }
  func.func @transform_0(%arg0: i32, %arg1: i32) -> (i32, i32, i32) {
    %c0_i32 = arith.constant 0 : i32
    %c0_i32_0 = arith.constant 0 : i32
    return %arg0, %c0_i32, %arg1 : i32, i32, i32
  }
  func.func @transform_1(%arg0: i32, %arg1: i32) -> (i32, i32, i32) {
    %c0_i32 = arith.constant 0 : i32
    %c0_i32_0 = arith.constant 0 : i32
    %c0_i32_1 = arith.constant 0 : i32
    return %arg0, %c0_i32, %c0_i32_0 : i32, i32, i32
  }
  func.func @transform_2(%arg0: i32, %arg1: i32) -> (i32, i32, i32) {
    %c0_i32 = arith.constant 0 : i32
    %c0_i32_0 = arith.constant 0 : i32
    return %arg0, %c0_i32, %arg1 : i32, i32, i32
  }
}

module attributes {stable_mosaic.version = 14 : i64} {
  func.func @_tc_assemble_body(%arg0: i32, %arg1: i32, %arg2: memref<1x3136x512xf32, #tpu.memory_space<vmem>>, %arg3: memref<1x256x3136xf32, #tpu.memory_space<vmem>>, %arg4: memref<1x1x512xf32, #tpu.memory_space<vmem>>, %arg5: memref<1x1x512xf32, #tpu.memory_space<vmem>>, %arg6: memref<1x256x512xf32, #tpu.memory_space<vmem>>) attributes {dimension_semantics = [#tpu.dimension_semantics<arbitrary>, #tpu.dimension_semantics<arbitrary>], iteration_bounds = array<i64: 1, 7>, scalar_prefetch = 0 : i64, scratch_operands = 0 : i64, tpu.core_type = #tpu.core_type<tc>, window_params = [{transform_indices = @transform_0, window_bounds = array<i64: 1, 3136, 512>}, {transform_indices = @transform_1, window_bounds = array<i64: 1, 256, 3136>}, {transform_indices = @transform_2, window_bounds = array<i64: 1, 1, 512>}, {transform_indices = @transform_3, window_bounds = array<i64: 1, 1, 512>}, {transform_indices = @transform_4, window_bounds = array<i64: 1, 256, 512>}]} {
    %get3A = arith.constant 0 : index
    %get3A_0 = arith.constant 0 : index
    %get3A_1 = arith.constant 0 : index
    %get3A_2 = vector.load %arg2[%get3A, %get3A_0, %get3A_1] : memref<1x3136x512xf32, #tpu.memory_space<vmem>>, vector<1x3136x512xf32>
    %get3A_3 = vector.shape_cast %get3A_2 : vector<1x3136x512xf32> to vector<3136x512xf32>
    %get3A_4 = arith.constant 0 : index
    %get3A_5 = arith.constant 0 : index
    %get3A_6 = arith.constant 0 : index
    %get3A_7 = vector.load %arg4[%get3A_4, %get3A_5, %get3A_6] : memref<1x1x512xf32, #tpu.memory_space<vmem>>, vector<1x1x512xf32>
    %get3A_8 = vector.shape_cast %get3A_7 : vector<1x1x512xf32> to vector<1x512xf32>
    %get3A_9 = arith.constant 0 : index
    %get3A_10 = arith.constant 0 : index
    %get3A_11 = arith.constant 0 : index
    %get3A_12 = vector.load %arg5[%get3A_9, %get3A_10, %get3A_11] : memref<1x1x512xf32, #tpu.memory_space<vmem>>, vector<1x1x512xf32>
    %get3A_13 = vector.shape_cast %get3A_12 : vector<1x1x512xf32> to vector<1x512xf32>
    %ge3A = vector.broadcast %get3A_8 : vector<1x512xf32> to vector<3136x512xf32>
    %ge3A_14 = arith.cmpf oge, %get3A_3, %ge3A : vector<3136x512xf32>
    %sub3A = vector.broadcast %get3A_13 : vector<1x512xf32> to vector<3136x512xf32>
    %sub3A_15 = arith.subf %get3A_3, %sub3A : vector<3136x512xf32>
    %exp3A = math.exp %sub3A_15 : vector<3136x512xf32>
    %jit3A = arith.constant 0.000000e+00 : f32
    %broadcast_in_dim3A = vector.broadcast %jit3A : f32 to vector<3136x512xf32>
    %select_n3A = arith.select %ge3A_14, %exp3A, %broadcast_in_dim3A : vector<3136x512xi1>, vector<3136x512xf32>
    %reduce_sum3A = arith.constant dense<0.000000e+00> : vector<512xf32>
    %reduce_sum3A_16 = vector.multi_reduction <add>, %select_n3A, %reduce_sum3A [0] : vector<3136x512xf32> to vector<512xf32>
    %broadcast_in_dim3A_17 = vector.shape_cast %reduce_sum3A_16 : vector<512xf32> to vector<1x512xf32>
    %get3A_18 = arith.constant 0 : index
    %get3A_19 = arith.constant 0 : index
    %get3A_20 = arith.constant 0 : index
    %get3A_21 = vector.load %arg3[%get3A_18, %get3A_19, %get3A_20] : memref<1x256x3136xf32, #tpu.memory_space<vmem>>, vector<1x256x3136xf32>
    %get3A_22 = vector.shape_cast %get3A_21 : vector<1x256x3136xf32> to vector<256x3136xf32>
    %dot_general3A = arith.constant dense<0.000000e+00> : vector<256x512xf32>
    %dot_general3A_23 = tpu.matmul %get3A_22, %select_n3A, %dot_general3A {dimension_numbers = #tpu.dot_dimension_numbers<[1], [0], [0], [1], [0, 0, 1, 1], [], []>, transpose_lhs_hint = false} : vector<256x3136xf32>, vector<3136x512xf32>, vector<256x512xf32> -> vector<256x512xf32>
    %div3A = arith.constant 1.000000e+00 : f32
    %div3A_24 = vector.broadcast %div3A : f32 to vector<1x512xf32>
    %div3A_25 = arith.divf %div3A_24, %broadcast_in_dim3A_17 : vector<1x512xf32>
    %mul3A = vector.broadcast %div3A_25 : vector<1x512xf32> to vector<256x512xf32>
    %mul3A_26 = arith.mulf %dot_general3A_23, %mul3A : vector<256x512xf32>
    %swap3A = arith.constant 0 : index
    %swap3A_27 = arith.constant 0 : index
    %swap3A_28 = arith.constant 0 : index
    %swap3A_29 = vector.load %arg6[%swap3A, %swap3A_27, %swap3A_28] : memref<1x256x512xf32, #tpu.memory_space<vmem>>, vector<1x256x512xf32>
    %swap3A_30 = vector.shape_cast %swap3A_29 : vector<1x256x512xf32> to vector<256x512xf32>
    %swap3A_31 = vector.shape_cast %mul3A_26 : vector<256x512xf32> to vector<1x256x512xf32>
    tpu.vector_store %arg6[%swap3A, %swap3A_27, %swap3A_28], %swap3A_31 {strides = array<i32>} : memref<1x256x512xf32, #tpu.memory_space<vmem>>, vector<1x256x512xf32>,
    return
  }
  func.func @transform_0(%arg0: i32, %arg1: i32) -> (i32, i32, i32) {
    %c0_i32 = arith.constant 0 : i32
    %c0_i32_0 = arith.constant 0 : i32
    return %arg0, %c0_i32, %arg1 : i32, i32, i32
  }
  func.func @transform_1(%arg0: i32, %arg1: i32) -> (i32, i32, i32) {
    %c0_i32 = arith.constant 0 : i32
    %c0_i32_0 = arith.constant 0 : i32
    %c0_i32_1 = arith.constant 0 : i32
    return %arg0, %c0_i32, %c0_i32_0 : i32, i32, i32
  }
  func.func @transform_2(%arg0: i32, %arg1: i32) -> (i32, i32, i32) {
    %c0_i32 = arith.constant 0 : i32
    %c0_i32_0 = arith.constant 0 : i32
    return %arg0, %c0_i32, %arg1 : i32, i32, i32
  }
  func.func @transform_3(%arg0: i32, %arg1: i32) -> (i32, i32, i32) {
    %c0_i32 = arith.constant 0 : i32
    %c0_i32_0 = arith.constant 0 : i32
    return %arg0, %c0_i32, %arg1 : i32, i32, i32
  }
  func.func @transform_4(%arg0: i32, %arg1: i32) -> (i32, i32, i32) {
    %c0_i32 = arith.constant 0 : i32
    %c0_i32_0 = arith.constant 0 : i32
    return %arg0, %c0_i32, %arg1 : i32, i32, i32
  }
}

</mosaic_0001>

<sc_bundles>
// kernel: kernel.5.cloned.1.call-start
scs
__scs_entry_jumppad:
0x0: {  	(pc) =	sbr.rel $0x88, $3  }
0x1: {  	(tag) =	ssettag $0x0;
	lr =	simm.s32 $0x1  }
0x2: {  	[smem:$0x3F9F] =	sst lr;
	_ =	strace $0xD0000000  }
0x3: {  	_ = 	snop  }
0x4: {  	_ = 	snop  }
0x5: {  	_ = 	snop  }
0x6: {  	_ = 	snop  }
0x7: {  	_ = 	snop  }
__scs_overlays_trampoline_lowered:
0x8: {  	[smem:$0x3FAE] =	sst s0  }
0x9: {  	[smem:$0x3FAF] =	sst s1  }
0xa: {  	[smem:$0x3FB0] =	sst s2  }
0xb: {  	[smem:$0x3FB1] =	sst s3  }
0xc: {  	[smem:$0x3FB2] =	sst s4  }
0xd: {  	[smem:$0x3FB3] =	sst s5  }
0xe: {  	[smem:$0x3FB4] =	sst s6  }
0xf: {  	[smem:$0x3FB5] =	sst s7  }
0x10: {  	[smem:$0x3FB6] =	sst s8  }
0x11: {  	[smem:$0x3FB7] =	sst s9;
	s0 =	simm.s32 @!p0 $0x0  }
0x12: {  	s1 =	sld [smem:$0x3F9D];
	s0 =	simm.s32 @p0 $0x1  }
0x13: {  	[smem:$0x3FB8] =	sst s0;
	s0 =	simm.s32 @!p1 $0x0  }
0x14: {  	s2 =	sld [smem:$0x3F9C];
	s0 =	simm.s32 @p1 $0x1  }
0x15: {  	[smem:$0x3FB9] =	sst s0;
	s0 =	simm.s32 @!p2 $0x0  }
0x16: {  	s3 =	sld [smem:$0x3FDB];
	s0 =	simm.s32 @p2 $0x1  }
0x17: {  	s4 =	simm.s32 $0x1BF5;
	[smem:$0x3FBB] =	sst s0  }
0x18: {  	s0 =	sld [smem:$0x3F9E];
	_ =	swait.ge [sflag:s4], $0x0  }
0x19: {  	s7 =	sld [smem:$0x3F9F]  }
0x1a: {  	s8 =	sadd.s32 $0xFFFFE003, lr  }
0x1b: {  	s9 =	sadd.s32 $0xFFFFFEF7, lr;
	s5 =	simm.s32 $0xFFFFFFFF;
	p2 =	slt.u32 s8, $0xFFFFF086  }
0x1c: {  	p1 =	slt.u32 s9, $0xF7A;
	s5 =	simm.s32 @!p2 $0x0  }
0x1d: {  	s5 =	simm.s32 @p1 $0x1;
	p0 =	seq.s32 s7, s2  }
0x1e: {  	s7 =	smul.u32 @!p0 $0xF7A, s2;
	p2 =	seq.s32 @!p0 s5, $0x0  }
0x1f: {  	s9 =	smul.u32 $0xF7A, s1;
	s8 =	simm.s32 @!p0 $0x1BF5;
	p2 =	por !p2, p0  }
0x20: {  	[sflag:s8] =	ssyncset.s32 @!p0 $0xFFFFF086;
	s6 =	sadd.s32 @!p0 s3, s7;
	s7 =	simm.s32 @!p0 $0x108  }
0x21: {  	s3 =	sadd.s32 s3, s9;
	s6 =	sadd.s32 @!p0 $0x88, s6;
	s7 =	simm.s32 @p2 $0x1082  }
0x22: {  	[simem:s7], [sflag:s8] =	dma.local @!p0 [hbm:s6], $0xF7A  }
0x23: {  	s9 =	sor.u32 $0xD0000000, s2;
	s6 =	simm.s32 $0x108;
	_ =	swait.ge @!p0 [sflag:s8], $0x0  }
0x24: {  	s3 =	sadd.s32 $0x88, s3;
	s6 =	simm.s32 @!p1 $0x1082;
	[sflag:s4] =	ssyncset.s32 $0xFFFFF086  }
0x25: {  	[simem:s6], [sflag:s4] =	dma.local [hbm:s3], $0xF7A  }
0x26: {  	[smem:$0x3F9F] =	sst s1;
	(tag) =	ssettag s2;
	_ =	strace s9  }
0x27: {  	s1 =	sld [smem:$0x3FAF]  }
0x28: {  	s2 =	sld [smem:$0x3FB0]  }
0x29: {  	s4 =	sld [smem:$0x3FB2]  }
0x2a: {  	p0 =	seq.s32 s5, $0x0;
	s5 =	sld [smem:$0x3FB3]  }
0x2b: {  	s6 =	sld [smem:$0x3FB4]  }
0x2c: {  	s7 =	sld [smem:$0x3FB5]  }
0x2d: {  	s3 =	simm.s32 $0x108;
	s8 =	sld [smem:$0x3FB6]  }
0x2e: {  	s3 =	simm.s32 @!p0 $0x1082;
	s9 =	sld [smem:$0x3FB7]  }
0x2f: {  	lr =	sadd.s32 s0, s3;
	s0 =	sld [smem:$0x3FAE]  }
0x30: {  	s3 =	sld [smem:$0x3FB1]  }
0x31: {  	[smem:$0x3FBA] =	sst s10  }
0x32: {  	s10 =	sld [smem:$0x3FB8];
	_ =	sdelay $0x3  }
0x33: {  	p0 =	seq.s32 s10, $0x1;
	s10 =	sld [smem:$0x3FBA];
	_ =	sdelay $0x3  }
0x34: {  	[smem:$0x3FBA] =	sst s10  }
0x35: {  	s10 =	sld [smem:$0x3FB9];
	_ =	sdelay $0x3  }
0x36: {  	p1 =	seq.s32 s10, $0x1;
	s10 =	sld [smem:$0x3FBA];
	_ =	sdelay $0x3  }
0x37: {  	[smem:$0x3FBA] =	sst s10  }
0x38: {  	s10 =	sld [smem:$0x3FBB]  }
0x39: {  	_ = 	snop;
	(pc) =	sbr.ind lr, $3  }
0x3a: {  	_ = 	snop  }
0x3b: {  	_ = 	snop  }
0x3c: {  	p2 =	seq.s32 s10, $0x1;
	s10 =	sld [smem:$0x3FBA]  }
0x3d: {  	_ =	shalt  }
0x3e: {  	_ =	shalt  }
0x3f: {  	_ =	shalt  }
0x40: {  	_ =	shalt  }
0x41: {  	_ =	shalt  }
0x42: {  	_ =	shalt  }
0x43: {  	_ =	shalt  }
0x44: {  	_ =	shalt  }
0x45: {  	_ =	shalt  }
0x46: {  	_ =	shalt  }
0x47: {  	_ =	shalt  }
0x48: {  	_ =	shalt  }
0x49: {  	_ =	shalt  }
0x4a: {  	_ =	shalt  }
0x4b: {  	_ =	shalt  }
0x4c: {  	_ =	shalt  }
0x4d: {  	_ =	shalt  }
0x4e: {  	_ =	shalt  }
0x4f: {  	_ =	shalt  }
0x50: {  	_ =	shalt  }
0x51: {  	_ =	shalt  }
0x52: {  	_ =	shalt  }
0x53: {  	_ =	shalt  }
0x54: {  	_ =	shalt  }
0x55: {  	_ =	shalt  }
0x56: {  	_ =	shalt  }
0x57: {  	_ =	shalt  }
0x58: {  	_ =	shalt  }
0x59: {  	_ =	shalt  }
0x5a: {  	_ =	shalt  }
0x5b: {  	_ =	shalt  }
0x5c: {  	_ =	shalt  }
0x5d: {  	_ =	shalt  }
0x5e: {  	_ =	shalt  }
0x5f: {  	_ =	shalt  }
0x60: {  	_ =	shalt  }
0x61: {  	_ =	shalt  }
0x62: {  	_ =	shalt  }
0x63: {  	_ =	shalt  }
0x64: {  	_ =	shalt  }
0x65: {  	_ =	shalt  }
0x66: {  	_ =	shalt  }
0x67: {  	_ =	shalt  }
0x68: {  	_ =	shalt  }
0x69: {  	_ =	shalt  }
0x6a: {  	_ =	shalt  }
0x6b: {  	_ =	shalt  }
0x6c: {  	_ =	shalt  }
0x6d: {  	_ =	shalt  }
0x6e: {  	_ =	shalt  }
0x6f: {  	_ =	shalt  }
0x70: {  	_ =	shalt  }
0x71: {  	_ =	shalt  }
0x72: {  	_ =	shalt  }
0x73: {  	_ =	shalt  }
0x74: {  	_ =	shalt  }
0x75: {  	_ =	shalt  }
0x76: {  	_ =	shalt  }
0x77: {  	_ =	shalt  }
0x78: {  	_ =	shalt  }
0x79: {  	_ =	shalt  }
0x7a: {  	_ =	shalt  }
0x7b: {  	_ =	shalt  }
0x7c: {  	_ =	shalt  }
0x7d: {  	_ =	shalt  }
0x7e: {  	_ =	shalt  }
0x7f: {  	_ =	shalt  }
0x80: {  	_ =	shalt  }
0x81: {  	_ =	shalt  }
0x82: {  	_ =	shalt  }
0x83: {  	_ =	shalt  }
0x84: {  	_ =	shalt  }
0x85: {  	_ =	shalt  }
0x86: {  	_ =	shalt  }
0x87: {  	_ =	shalt  }
.Lfunc_end0:
.L_simem_size_0:
called_computation_lowered:
.L_overlay_start_0:
0x88: {  	s2 =	sld [smem:$0x3FD9]  }
0x89: {  	s3 =	sld [smem:$0x3FFE];
	_ =	sdelay $0x1  }
0x8a: {  	s1 =	srdreg.scid  }
0x8b: {  	s0 =	sand.u32 $0x1, s1  }
0x8c: {  	s17 =	sshll.u32 s0, $0xA;
	s2 =	sadd.s32 s3, s2  }
0x8d: {  	s2 =	sadd.s32 s2, s17  }
0x8e: {  	[smem:$0x3FC6] =	sst s2  }
0x8f: {  	_ = 	snop  }
0x90: {  	s2 =	sld [smem:$0x3FD0];
	(tm) =	ssettm $0x1  }
0x91: {  	s18 =	sld [smem:$0x3FFB];
	_ =	sdelay $0x3  }
0x92: {  	_ =	strace s18  }
0x93: {  	s3 =	sld [smem:$0x3FFC];
	_ =	sdelay $0x3  }
0x94: {  	_ =	strace s3  }
0x95: {  	s3 =	sld [smem:$0x3FFD];
	_ =	sdelay $0x3  }
0x96: {  	_ =	strace s3  }
0x97: {  	_ =	strace $0x8FFFFFFF  }
0x98: {  	s19 =	sld [smem:$0x3FDB];
	_ =	sdelay $0x1  }
0x99: {  	s4 =	simm.s32 $_scs_section_size  }
0x9a: {  	s5 =	simm.s32 $_size__tile_overlayer_lowered;
	s6 =	simm.s32 $_tile_overlayer_lowered  }
0x9b: {  	s22 =	simm.s32 $0x1BFF;
	s21 =	sshll.u32 s6, $0x1;
	s3 =	sadd.s32 s4, s19  }
0x9c: {  	s7 =	simm.s32 $0x0;
	s20 =	sshll.u32 s5, $0x1;
	s5 =	sadd.s32 s21, s3  }
0x9d: {  	[timem:s7], [sflag:s22] =	dma.local [hbm:s5], s20  }
0x9e: {  	_ =	swait.ge [sflag:s22], s20  }
0x9f: {  	s4 =	ssub.s32 $0x0, s20;
	[sflag:s22] =	ssyncset.done $0x0  }
0xa0: {  	[sflag:s22] =	ssyncadd.s32 s4;
	_ =	sdelay $0x1  }
0xa1: {  	s23 =	simm.s32 $0x1B8B  }
0xa2: {  	_ =	swait.ge [sflag:s23], $0x1  }
0xa3: {  	[sflag:s23] =	ssyncset.done $0x0  }
0xa4: {  	s25 =	simm.s32 $0x1B8E;
	s24 =	sld [smem:$0x3FFE];
	[sflag:s23] =	ssyncadd.s32 $0xFFFFFFFF  }
0xa5: {  	s26 =	simm.s32 $execute0_lowered;
	[smem:$0x3FD2] =	sst s25  }
0xa6: {  	s5 =	sshll.u32 s26, $0x1;
	_ =	strace $0x80000046;
	[dreg:$0x1] =	wrdreg $0xFFFFFFFF  }
0xa7: {  	s28 =	simm.s32 $_size_execute0_lowered;
	s3 =	sadd.s32 s3, s5;
	[dreg:$0x0] =	wrdreg $0x0  }
0xa8: {  	s5 =	sshll.u32 s28, $0x1;
	[dreg:$0x2] =	wrdreg s3  }
0xa9: {  	[dreg:$0x3] =	wrdreg s5  }
0xaa: {  	[dreg:$0x4] =	wrdreg $0xC0  }
0xab: {  	_ =	task [dreg:s7], $0x5FFFF  }
0xac: {  	[dreg:$0x1] =	wrdreg $0xFFFFFFFF  }
0xad: {  	[dreg:$0x0] =	wrdreg $0x60  }
0xae: {  	[dreg:$0x2] =	wrdreg s24  }
0xaf: {  	[dreg:$0x3] =	wrdreg s2  }
0xb0: {  	[dreg:$0x4] =	wrdreg $0x9  }
0xb1: {  	_ =	task.clear_ibuf [dreg:s7], $0x5FFFF;
	_ =	strace $0x90000046  }
0xb2: {  	s29 =	simm.s32 $0x9;
	_ =	strace $0x80000048  }
0xb3: {  	_ =	swait.ge [sflag:s29], $0x1  }
0xb4: {  	[sflag:s29] =	ssyncadd.s32 $0xFFFFFFFF  }
0xb5: {  	_ =	strace $0x90000048  }
0xb6: {  	_ =	sfence  }
0xb7: {  	s30 =	sld [smem:$0x0];
	_ =	sdelay $0x2  }
0xb8: {  	s31 =	sshll.u32 s1, $0xD;
	s1 =	sshrl.u32 s1, $0x2  }
0xb9: {  	s3 =	sand.u32 $0x4000, s31;
	s1 =	sadd.s32 s1, s30  }
0xba: {  	s0 =	sor.u32 s3, s0;
	s1 =	sshll.u32 s1, $0x11  }
0xbb: {  	s0 =	sor.u32 s1, s0  }
0xbc: {  	s0 =	sadd.s32 $0x8F2B, s0  }
0xbd: {  	[sflag:s0] =	ssyncadd.remote.s32 $0x1  }
0xbe: {  	_ =	sfence.sel $0xFFFF  }
0xbf: {  	[dreg:$0x0] =	wrdreg $0xFFFFFFFF;
	(pc) =	sbr.abs _section_cstart, $3  }
0xc0: {  	[dreg:$0x1] =	wrdreg $0xFFFFFFFF  }
0xc1: {  	_ =	task.clear_ibuf [dreg:s7], $0x2FFFF;
	_ =	strace $0x9FFFFFFF  }
0xc2: {  	(tm) =	ssettm $0x7FFFFFFF  }
0xc3: {  	_ =	shalt  }
tec
execute0_lowered:
.L_overlay_start_1:
0x0: {  	(tag) =	ssettag $0x1  }
0x1: {  	s4 =	rddreg [dreg:$0x0]  }
0x2: {  	s1 =	rddreg [dreg:$0x1];
	s3 =	srdreg.scid  }
0x3: {  	s0 =	rddreg [dreg:$0x2];
	s2 =	simm.s32 $0x0;
	s9 =	simm.s32 $0x10  }
0x4: {  	s10 =	simm.s32 $0xC40;
	s11 =	simm.s32 $0x2;
	s12 =	simm.s32 $0xC400  }
.Ltmp0:
0x5: {  	s13 =	simm.s32 $0xC410;
	s3 =	sand.u32 $0x1, s3;
	(pc) =	sbr.rel .LBB2_1-.Ltmp0, $4  }
0x6: {  	s14 =	simm.s32 $0x1;
	s15 =	simm.s32 $0x0;
	s7 =	ssub.s32 $0x2, s3  }
0x7: {  	[smem:$0x7FF] =	sst s2;
	s5 =	sadd.s32 $0x265C00, s4;
	s8 =	sshrl.u32 s7, $0x1  }
0x8: {  	s6 =	sadd.s32 $0x391E00, s4;
	s4 =	stileid.u32;
	s8 =	ssub.s32 s7, s8  }
0x9: {  	_ =	strace $0x80000047;
	s7 =	sshll.u32 s4, $0x1;
	s8 =	smax.u32 s8, $0x1  }
.LBB2_7:
0xa: {  	s15 =	sadd.s32 $0x1, s15  }
0xb: {  	p0 =	sne.s32 s15, s8  }
.Ltmp1:
0xc: {  	_ = 	snop;
	(pc) =	sbr.rel @!p0 .LBB2_8-.Ltmp1, $1  }
0xd: {  	_ =	sdelay $0x3  }
.LBB2_1:
.Ltmp2:
0xe: {  	(pc) =	sbr.rel .LBB2_2-.Ltmp2, $2  }
0xf: {  	_ =	sdelay $0x2  }
0x10: {  	s16 =	simm.s32 $0x0  }
.LBB2_6:
0x11: {  	s16 =	sadd.s32 $0x1, s16  }
0x12: {  	p0 =	sne.s32 s16, $0x7  }
.Ltmp3:
0x13: {  	_ = 	snop;
	(pc) =	sbr.rel @!p0 .LBB2_7-.Ltmp3, $1  }
0x14: {  	_ =	sdelay $0x3  }
.LBB2_2:
0x15: {  	s17 =	sshll.u32 s16, $0x5  }
0x16: {  	s17 =	sor.u32 s7, s17  }
0x17: {  	p0 =	sgt.u32 s17, $0xC3  }
.Ltmp4:
0x18: {  	_ = 	snop;
	(pc) =	sbr.rel @p0 .LBB2_6-.Ltmp4, $1  }
0x19: {  	_ =	sdelay $0x3  }
0x1a: {  	s17 =	sor.u32 s3, s17  }
0x1b: {  	s18 =	smulhi.u32 $0x5397829D, s17;
	_ =	sdelay $0x1  }
0x1c: {  	s18 =	sshrl.u32 s18, $0x6  }
0x1d: {  	s18 =	smul.u32 $0xC4, s18;
	_ =	sdelay $0x1  }
0x1e: {  	s17 =	ssub.s32 s17, s18  }
0x1f: {  	s17 =	sshll.u32 s17, $0x1  }
0x20: {  	s30 =	sadd.s32 s5, s17  }
0x21: {  	[tilespmem:s2], [sflag:$0x2] =	stream.strided.gather [hbm4b:s30+s9], $0xC400, s10, s9, $0x38;
	[tilespmem:$0xC420] =	vst v63  }
0x22: {  	_ =	swait.ge [sflag:s11], $0xC400  }
0x23: {  	[sflag:s11] =	ssyncset.done $0x0  }
0x24: {  	s31 =	simm.s32 $0x40;
	[sflag:s11] =	ssyncadd.s32 $0xFFFF3C00  }
0x25: {  	v0 =	vld [tilespmem:s31+$0xFFFFFFC0]  }
0x26: {  	v1 =	vld [tilespmem:s31+$0xFFFFFFD0];
	_ =	sdelay $0x1  }
0x27: {  	v2 =	vld [tilespmem:s31+$0xFFFFFFE0]  }
0x28: {  	v5 =	vimm.f32 $-Inf  }
0x29: {  	v3 =	vmax.f32 v5, v0;
	v0 =	vmin.f32 v5, v0  }
0x2a: {  	v7 =	vld [tilespmem:s31+$0xFFFFFFF0];
	v4 =	vmax.f32 v5, v0;
	v0 =	vmin.f32 v5, v0;
	v6 =	vmax.f32 v3, v1  }
0x2b: {  	v1 =	vmin.f32 v3, v1;
	v8 =	vmax.f32 v5, v0;
	v0 =	vmin.f32 v5, v0  }
0x2c: {  	v9 =	vld [tilespmem:s31+$0x0];
	v3 =	vmax.f32 v4, v1;
	v1 =	vmin.f32 v4, v1;
	v4 =	vmax.f32 v6, v2  }
0x2d: {  	v2 =	vmin.f32 v6, v2;
	v10 =	vmax.f32 v5, v0;
	v0 =	vmin.f32 v5, v0  }
0x2e: {  	v11 =	vmax.f32 v3, v2;
	v2 =	vmin.f32 v3, v2;
	v12 =	vmax.f32 v8, v1  }
0x2f: {  	v13 =	vmin.f32 v4, v7;
	v1 =	vmin.f32 v8, v1;
	v4 =	vmax.f32 v4, v7  }
0x30: {  	v6 =	vmin.f32 v5, v0;
	v15 =	vmax.f32 v11, v13;
	v11 =	vmin.f32 v11, v13  }
0x31: {  	v17 =	vmax.f32 v12, v2;
	v18 =	vmin.f32 v4, v9;
	v19 =	vmax.f32 v10, v1  }
0x32: {  	v2 =	vmin.f32 v12, v2;
	v4 =	vmax.f32 v4, v9;
	v0 =	vmax.f32 v5, v0  }
0x33: {  	v1 =	vmin.f32 v10, v1;
	v3 =	vmin.f32 v5, v6;
	v6 =	vmax.f32 v5, v6  }
0x34: {  	v20 =	vmax.f32 v19, v2;
	v9 =	vmax.f32 v15, v18;
	v15 =	vmin.f32 v15, v18  }
0x35: {  	v18 =	vmin.f32 v17, v11;
	v11 =	vmax.f32 v17, v11;
	v53 =	vmin.f32 v0, v1  }
0x36: {  	v2 =	vmin.f32 v19, v2;
	v0 =	vmax.f32 v0, v1;
	v14 =	vmin.f32 v5, v3  }
0x37: {  	v3 =	vmax.f32 v5, v3;
	v22 =	vmin.f32 v6, v53;
	v19 =	vmin.f32 v0, v2  }
0x38: {  	v13 =	vld [tilespmem:s31+$0x10];
	v23 =	vmin.f32 v20, v18;
	v24 =	vmin.f32 v11, v15;
	v0 =	vmax.f32 v0, v2  }
0x39: {  	v7 =	vld [tilespmem:s31+$0x20];
	v2 =	vmax.f32 v20, v18;
	v11 =	vmax.f32 v11, v15;
	v6 =	vmax.f32 v6, v53  }
0x3a: {  	v12 =	vld [tilespmem:s31+$0x30];
	v16 =	vmin.f32 v5, v14;
	v14 =	vmax.f32 v5, v14;
	v15 =	vmin.f32 v2, v24  }
0x3b: {  	v54 =	vmax.f32 v0, v23;
	v2 =	vmax.f32 v2, v24;
	v55 =	vmin.f32 v0, v23  }
0x3c: {  	v8 =	vmax.f32 v5, v16;
	v16 =	vmin.f32 v5, v16;
	v57 =	vmax.f32 v54, v15  }
0x3d: {  	v15 =	vmin.f32 v54, v15;
	v21 =	vmax.f32 v4, v13;
	v4 =	vmin.f32 v4, v13  }
0x3e: {  	v5 =	vmax.f32 v5, v16;
	v10 =	vmax.f32 v9, v4;
	v13 =	vmax.f32 v21, v7  }
0x3f: {  	v7 =	vmin.f32 v21, v7;
	v4 =	vmin.f32 v9, v4;
	v17 =	vmin.f32 v13, v12  }
0x40: {  	v9 =	vmax.f32 v10, v7;
	v7 =	vmin.f32 v10, v7;
	v10 =	vmin.f32 v3, v22  }
0x41: {  	v56 =	vmin.f32 v11, v4;
	v22 =	vmax.f32 v3, v22;
	v3 =	vmax.f32 v11, v4  }
0x42: {  	v11 =	vmax.f32 v6, v19;
	v6 =	vmin.f32 v6, v19;
	v1 =	vmin.f32 v9, v17  }
0x43: {  	v18 =	vmin.f32 v14, v10;
	v4 =	vmin.f32 v2, v56;
	v25 =	vmax.f32 v3, v7  }
0x44: {  	v2 =	vmax.f32 v2, v56;
	v7 =	vmin.f32 v3, v7;
	v19 =	vmax.f32 v11, v55  }
0x45: {  	v10 =	vmax.f32 v14, v10;
	v11 =	vmin.f32 v11, v55;
	v0 =	vmax.f32 v25, v1  }
0x46: {  	v1 =	vmin.f32 v25, v1;
	v58 =	vmax.f32 v57, v4;
	v3 =	vmax.f32 v2, v7  }
0x47: {  	v7 =	vmin.f32 v2, v7;
	v2 =	vmax.f32 v22, v6;
	v14 =	vmax.f32 v8, v18  }
0x48: {  	v60 =	vmin.f32 v19, v15;
	v6 =	vmin.f32 v22, v6;
	v15 =	vmax.f32 v19, v15  }
0x49: {  	v19 =	vmin.f32 v57, v4;
	v8 =	vmin.f32 v8, v18;
	v4 =	vmax.f32 v9, v17  }
0x4a: {  	v59 =	vmax.f32 v58, v7;
	v22 =	vmax.f32 v10, v6;
	v61 =	vmin.f32 v15, v19  }
0x4b: {  	v6 =	vmin.f32 v10, v6;
	v10 =	vmax.f32 v2, v11;
	v17 =	vmin.f32 v3, v1  }
0x4c: {  	v5 =	vmax.f32 v5, v8;
	v9 =	vmin.f32 v2, v11;
	v8 =	vmax.f32 v15, v19  }
0x4d: {  	v18 =	vmax.f32 v10, v60;
	v16 =	vmax.f32 v14, v6;
	v6 =	vmin.f32 v14, v6  }
0x4e: {  	v2 =	vmin.f32 v59, v17;
	v63 =	vmax.f32 v22, v9;
	v19 =	vmin.f32 v22, v9  }
0x4f: {  	v62 =	vmin.f32 v18, v61;
	v14 =	vmax.f32 v18, v61;
	v18 =	vmin.f32 v10, v60  }
0x50: {  	v10 =	vmin.f32 v58, v7;
	v5 =	vmax.f32 v5, v6;
	v6 =	vmax.f32 v13, v12  }
0x51: {  	v12 =	vmax.f32 v16, v19;
	v13 =	vmin.f32 v16, v19;
	v11 =	vmin.f32 v8, v10  }
0x52: {  	v7 =	vmax.f32 v8, v10;
	v15 =	vmin.f32 v63, v18;
	v8 =	vmax.f32 v14, v11  }
0x53: {  	v10 =	vmin.f32 v7, v2;
	v16 =	vmin.f32 v14, v11;
	v11 =	vmax.f32 v5, v13  }
0x54: {  	v13 =	vmax.f32 v63, v18;
	v5 =	vmax.f32 v59, v17;
	v17 =	vmax.f32 v12, v15  }
0x55: {  	v14 =	vmin.f32 v12, v15;
	v18 =	vmax.f32 v13, v62;
	v19 =	vmin.f32 v13, v62  }
0x56: {  	v9 =	vmin.f32 v8, v10;
	v13 =	vmax.f32 v17, v19;
	v12 =	vmax.f32 v18, v16  }
0x57: {  	s19 =	simm.s32 $0xC0;
	s18 =	simm.s32 $0x0;
	v15 =	vmin.f32 v17, v19;
	v17 =	vmin.f32 v18, v16;
	v16 =	vmin.f32 v12, v9  }
.LBB2_4:
0x58: {  	v18 =	vld [tilespmem:s19+$0xFFFFFFC0];
	s18 =	sadd.s32 $0x8, s18;
	v19 =	vmin.f32 v13, v17;
	v1 =	vmax.f32 v3, v1;
	v3 =	vmax.f32 v7, v2  }
0x59: {  	v2 =	vmax.f32 v11, v14;
	v11 =	vmax.f32 v13, v17;
	v8 =	vmax.f32 v8, v10;
	v7 =	vld [tilespmem:s19+$0xFFFFFFD0];
	p0 =	slt.u32 s18, $0xC38  }
0x5a: {  	v2 =	vmax.f32 v2, v15;
	v10 =	vmax.f32 v11, v16;
	v11 =	vmin.f32 v11, v16  }
0x5b: {  	v9 =	vmax.f32 v12, v9;
	v2 =	vmax.f32 v2, v19;
	v13 =	vld [tilespmem:s19+$0xFFFFFFE0]  }
0x5c: {  	v2 =	vmax.f32 v2, v11  }
0x5d: {  	v11 =	vmax.f32 v6, v18;
	v6 =	vmin.f32 v6, v18  }
0x5e: {  	v12 =	vmax.f32 v4, v6;
	v4 =	vmin.f32 v4, v6;
	v6 =	vmax.f32 v11, v7;
	v14 =	vld [tilespmem:s19+$0xFFFFFFF0]  }
0x5f: {  	v15 =	vmax.f32 v0, v4;
	v0 =	vmin.f32 v0, v4;
	v4 =	vmin.f32 v11, v7  }
0x60: {  	v7 =	vmax.f32 v12, v4;
	v4 =	vmin.f32 v12, v4;
	v11 =	vmax.f32 v6, v13;
	v12 =	vld [tilespmem:s19+$0x0]  }
0x61: {  	v16 =	vmax.f32 v1, v0;
	v0 =	vmin.f32 v1, v0;
	v1 =	vmin.f32 v6, v13;
	v6 =	vld [tilespmem:s19+$0x10]  }
0x62: {  	v13 =	vmin.f32 v5, v0;
	v17 =	vmax.f32 v7, v1;
	v1 =	vmin.f32 v7, v1  }
0x63: {  	v18 =	vmax.f32 v15, v4;
	v7 =	vmin.f32 v3, v13;
	v19 =	vmin.f32 v11, v14;
	v20 =	vld [tilespmem:s19+$0x20]  }
0x64: {  	v21 =	vmin.f32 v8, v7;
	v22 =	vmax.f32 v17, v19;
	v17 =	vmin.f32 v17, v19  }
0x65: {  	v4 =	vmin.f32 v15, v4;
	v11 =	vmax.f32 v11, v14;
	v19 =	vmin.f32 v9, v21  }
0x66: {  	v15 =	vmax.f32 v18, v1;
	v14 =	vmax.f32 v10, v19;
	v23 =	vmin.f32 v11, v12  }
0x67: {  	v1 =	vmin.f32 v18, v1;
	v7 =	vmax.f32 v8, v7;
	v8 =	vmax.f32 v16, v4;
	v18 =	vld [tilespmem:s19+$0x30]  }
0x68: {  	v3 =	vmax.f32 v3, v13;
	v13 =	vmax.f32 v8, v1;
	v11 =	vmax.f32 v11, v12  }
0x69: {  	v0 =	vmax.f32 v5, v0;
	v5 =	vmax.f32 v22, v23;
	v12 =	vmin.f32 v22, v23  }
0x6a: {  	v22 =	vmin.f32 v15, v17;
	v23 =	vmax.f32 v11, v6;
	v6 =	vmin.f32 v11, v6  }
0x6b: {  	v4 =	vmin.f32 v16, v4;
	v11 =	vmax.f32 v5, v6;
	v16 =	vmax.f32 v23, v20  }
0x6c: {  	v15 =	vmax.f32 v15, v17;
	v17 =	vmin.f32 v23, v20;
	v20 =	vmin.f32 v16, v18  }
0x6d: {  	v5 =	vmin.f32 v5, v6;
	v23 =	vmin.f32 v0, v4;
	v6 =	vmax.f32 v11, v17  }
0x6e: {  	v1 =	vmin.f32 v8, v1;
	v24 =	vmin.f32 v3, v23;
	v8 =	vmin.f32 v11, v17  }
0x6f: {  	v0 =	vmax.f32 v0, v4;
	v4 =	vmin.f32 v7, v24;
	v11 =	vmin.f32 v6, v20  }
0x70: {  	v25 =	vmin.f32 v13, v22;
	v26 =	vmin.f32 v15, v12;
	v17 =	vmin.f32 v0, v1  }
0x71: {  	v9 =	vmax.f32 v9, v21;
	v0 =	vmax.f32 v0, v1;
	v1 =	vmax.f32 v13, v22  }
0x72: {  	v10 =	vmin.f32 v10, v19;
	v12 =	vmax.f32 v15, v12;
	v13 =	vmin.f32 v1, v26  }
0x73: {  	v19 =	vmax.f32 v0, v25;
	v21 =	vmax.f32 v1, v26;
	v15 =	vmin.f32 v9, v4  }
0x74: {  	v3 =	vmax.f32 v3, v23;
	v23 =	vmin.f32 v12, v5;
	v22 =	vmin.f32 v0, v25  }
0x75: {  	v5 =	vmax.f32 v12, v5;
	v7 =	vmax.f32 v7, v24;
	v12 =	vmin.f32 v21, v23  }
0x76: {  	v24 =	vmax.f32 v3, v17;
	v1 =	vmax.f32 v5, v8;
	v25 =	vmax.f32 v19, v13  }
0x77: {  	v13 =	vmin.f32 v19, v13;
	v0 =	vmax.f32 v1, v11;
	v1 =	vmin.f32 v1, v11  }
0x78: {  	v5 =	vmin.f32 v5, v8;
	v19 =	vmax.f32 v25, v12;
	v11 =	vmax.f32 v21, v23  }
0x79: {  	v8 =	vmin.f32 v3, v17;
	v3 =	vmax.f32 v11, v5;
	v5 =	vmin.f32 v11, v5  }
0x7a: {  	v17 =	vmax.f32 v24, v22;
	v11 =	vmax.f32 v7, v8;
	v21 =	vmax.f32 v19, v5  }
0x7b: {  	v4 =	vmax.f32 v9, v4;
	v9 =	vmax.f32 v14, v15;
	v23 =	vmin.f32 v17, v13  }
0x7c: {  	v12 =	vmin.f32 v25, v12;
	v7 =	vmin.f32 v7, v8;
	v8 =	vmax.f32 v17, v13  }
0x7d: {  	v17 =	vmin.f32 v24, v22;
	v13 =	vmax.f32 v4, v7;
	v22 =	vmin.f32 v8, v12  }
0x7e: {  	v14 =	vmin.f32 v14, v15;
	v7 =	vmin.f32 v4, v7;
	v15 =	vmax.f32 v11, v17  }
0x7f: {  	v4 =	vmax.f32 v6, v20;
	v20 =	vmin.f32 v3, v1;
	v24 =	vmax.f32 v15, v23  }
0x80: {  	v2 =	vmax.f32 v2, v10;
	v25 =	vmax.f32 v9, v7;
	v26 =	vmin.f32 v24, v22  }
0x81: {  	v6 =	vmax.f32 v2, v14;
	v7 =	vmin.f32 v9, v7;
	v14 =	vmax.f32 v24, v22  }
0x82: {  	v9 =	vmin.f32 v11, v17;
	v15 =	vmin.f32 v15, v23;
	v2 =	vmin.f32 v21, v20  }
0x83: {  	v8 =	vmax.f32 v8, v12;
	v5 =	vmin.f32 v19, v5;
	v17 =	vmax.f32 v13, v9  }
0x84: {  	v11 =	vmax.f32 v6, v7;
	v7 =	vmax.f32 v8, v5;
	v5 =	vmin.f32 v8, v5  }
0x85: {  	v12 =	vmin.f32 v17, v15;
	v8 =	vmax.f32 v14, v5;
	v10 =	vmin.f32 v7, v2  }
0x86: {  	v13 =	vmin.f32 v13, v9;
	v6 =	vmax.f32 v16, v18;
	v9 =	vmin.f32 v8, v10  }
.Ltmp5:
0x87: {  	v16 =	vmax.f32 v25, v13;
	v13 =	vmin.f32 v25, v13;
	v18 =	vmin.f32 v14, v5;
	(pc) =	sbr.rel @p0 .LBB2_4-.Ltmp5, $4  }
0x88: {  	v5 =	vmax.f32 v21, v20;
	v11 =	vmax.f32 v11, v13;
	v13 =	vmax.f32 v17, v15  }
0x89: {  	v15 =	vmax.f32 v16, v12;
	v17 =	vmax.f32 v13, v26;
	v19 =	vmin.f32 v13, v26  }
0x8a: {  	v14 =	vmin.f32 v16, v12;
	v13 =	vmax.f32 v15, v19;
	v12 =	vmax.f32 v17, v18  }
0x8b: {  	s19 =	sadd.s32 $0x80, s19;
	v15 =	vmin.f32 v15, v19;
	v17 =	vmin.f32 v17, v18;
	v16 =	vmin.f32 v12, v9  }
0x8c: {  	v0 =	vmax.f32 v11, v14  }
0x8d: {  	v1 =	vmin.f32 v13, v17;
	v2 =	vmax.f32 v13, v17;
	v0 =	vmax.f32 v0, v15  }
0x8e: {  	v2 =	vmin.f32 v2, v16;
	v0 =	vmax.f32 v0, v1  }
0x8f: {  	[tilespmem:$0xC410] =	vst v6;
	v0 =	vmax.f32 v0, v2  }
0x90: {  	s18 =	sadd.s32 s1, s17;
	[tilespmem:$0xC400] =	vst v0  }
0x91: {  	[hbm4b:s18+s2] =	stream.linear.scatter [tilespmem:s12], [sflag:$0x2], $0x10, $0x38;
	[tilespmem:$0xC420] =	vst v63  }
0x92: {  	_ =	swait.ge [sflag:s11], $0x10  }
0x93: {  	[sflag:s11] =	ssyncset.done $0x0  }
.Ltmp6:
0x94: {  	s31 =	sadd.s32 s6, s17;
	[sflag:s11] =	ssyncadd.s32 $0xFFFFFFF0;
	(pc) =	sbr.rel .LBB2_6-.Ltmp6, $4  }
0x95: {  	[hbm4b:s31+s2] =	stream.linear.scatter [tilespmem:s13], [sflag:$0x1], $0x10, $0x38;
	[tilespmem:$0xC420] =	vst v63  }
0x96: {  	_ =	swait.ge [sflag:s14], $0x10  }
0x97: {  	[sflag:s14] =	ssyncset.done $0x0  }
0x98: {  	[sflag:s14] =	ssyncadd.s32 $0xFFFFFFF0  }
.LBB2_8:
0x99: {  	_ =	sfence.sel $0x180000  }
0x9a: {  	[bflag:$0x0] =	sbarrier.arrive $0xFFFF  }
0x9b: {  	p0 =	sne.s32 s4, $0x0;
	_ =	strace $0x90000047  }
0x9c: {  	s0 =	sadd.s32 @!p0 $0x100000, s0;
	[bflag:$0x2] =	sbarrier.arrive $0xFFFF  }
0x9d: {  	[sflag:s0] =	ssyncadd.tile.s32 @!p0 $0x1;
	_ =	shalt  }
.Lfunc_end2:
_tile_overlayer_lowered:
.L_overlay_start_2:
0x9e: {  	(tag) =	ssettag $0x2  }
0x9f: {  	s0 =	rddreg [dreg:$0x0];
	s2 =	stileid.u32  }
0xa0: {  	s1 =	rddreg [dreg:$0x1];
	p0 =	sne.s32 s2, $0x0  }
0xa1: {  	s3 =	rddreg [dreg:$0x2];
	[bflag:$0x3] =	sbarrier.arrive $0xFFFF;
	s2 =	simm.s32 @!p0 $0x1C01  }
0xa2: {  	[timem:s3], [sflag:s2] =	dma.local @!p0 [hbm:s0], s1  }
0xa3: {  	s0 =	simm.s32 @!p0 $0x1  }
0xa4: {  	_ =	swait.ge @!p0 [sflag:s0], s1  }
0xa5: {  	s1 =	ssub.s32 @!p0 $0x0, s1;
	[sflag:s0] =	ssyncset.done @!p0 $0x0  }
0xa6: {  	[sflag:s0] =	ssyncadd.s32 @!p0 s1  }
0xa7: {  	[bflag:$0x3] =	sbarrier.arrive $0xFFFF  }
0xa8: {  	_ =	shalt  }

</sc_bundles>
